<compile_context>
chip_gen: v7x
topology: tpu7x:2x2x1
jax: 0.10.2.dev20260603
libtpu: 0.0.44.dev20260713+nightly
codegen_flags: <defaults>
</compile_context>

<pallas_src>
import functools

import jax
import jax.numpy as jnp
from jax import lax
from jax.experimental import pallas as pl
from jax.experimental.pallas import tpu as pltpu
from jax.experimental.pallas import tpu_sc as plsc

B = 16384
D = 64
NC = 2
NS = 16
NW = NC * NS
BPW = B // NW
K = 16
NCHUNK = BPW // K
VEC = 16

_mesh = plsc.VectorSubcoreMesh(core_axis_name="c", subcore_axis_name="s")


@functools.partial(
    pl.kernel,
    mesh=_mesh,
    out_type=jax.ShapeDtypeStruct((B, 2 * D), jnp.float32),
    scratch_types=[
        pltpu.VMEM((BPW,), jnp.int32),
        pltpu.VMEM((BPW,), jnp.int32),
        pltpu.SMEM((BPW,), jnp.int32),
        pltpu.SMEM((BPW,), jnp.int32),
        pltpu.VMEM((K * 8, D), jnp.float32),
        pltpu.VMEM((K * 8, D), jnp.float32),
        pltpu.VMEM((K * 8, D), jnp.float32),
        pltpu.VMEM((K * 8, D), jnp.float32),
        pltpu.VMEM((K, 2 * D), jnp.float32),
        pltpu.VMEM((K, 2 * D), jnp.float32),
        pltpu.SemaphoreType.DMA,
        pltpu.SemaphoreType.DMA,
        pltpu.SemaphoreType.DMA,
        pltpu.SemaphoreType.DMA,
    ],
)
def _emb_kernel(uid_hbm, iid_hbm, tuid_hbm, tiid_hbm, out_hbm,
                uidx_v, iidx_v, us_s, is_s,
                ugrp_a, ugrp_b, igrp_a, igrp_b, crows_a, crows_b,
                sem_a, sem_b, sem_wa, sem_wb):
    wid = lax.axis_index("s") * NC + lax.axis_index("c")
    base = wid * BPW

    pltpu.sync_copy(uid_hbm.at[pl.ds(base, BPW)], uidx_v)
    pltpu.sync_copy(iid_hbm.at[pl.ds(base, BPW)], iidx_v)

    def _stage(t, carry):
        xu = uidx_v[pl.ds(t * VEC, VEC)]
        xi = iidx_v[pl.ds(t * VEC, VEC)]
        for l in range(VEC):
            us_s[t * VEC + l] = xu[l]
            is_s[t * VEC + l] = xi[l]
        return carry

    lax.fori_loop(0, BPW // VEC, _stage, 0)

    def _fire(c, ugrp, igrp, sem):
        cbase = c * K

        def body(j, carry):
            gu = pl.multiple_of((us_s[cbase + j] >> 3) << 3, 8)
            gi = pl.multiple_of((is_s[cbase + j] >> 3) << 3, 8)
            pltpu.async_copy(tuid_hbm.at[pl.ds(gu, 8)],
                             ugrp.at[pl.ds(j * 8, 8)], sem)
            pltpu.async_copy(tiid_hbm.at[pl.ds(gi, 8)],
                             igrp.at[pl.ds(j * 8, 8)], sem)
            return carry

        lax.fori_loop(0, K, body, 0)

    def _drain(ugrp, igrp, sem):
        pltpu.make_async_copy(tuid_hbm.at[pl.ds(0, K * 8)], ugrp,
                              sem).wait()
        pltpu.make_async_copy(tiid_hbm.at[pl.ds(0, K * 8)], igrp,
                              sem).wait()

    def _extract(c, ugrp, igrp, crows):
        cbase = c * K

        def body(j, carry):
            su = j * 8 + (us_s[cbase + j] & 7)
            si = j * 8 + (is_s[cbase + j] & 7)
            for k in range(D // VEC):
                crows[j, pl.ds(k * VEC, VEC)] = (
                    ugrp[su, pl.ds(k * VEC, VEC)])
                crows[j, pl.ds(D + k * VEC, VEC)] = (
                    igrp[si, pl.ds(k * VEC, VEC)])
            return carry

        lax.fori_loop(0, K, body, 0)

    def _wdesc(crows, sem_w, c):
        off = pl.multiple_of(base + c * K, 8)
        return pltpu.make_async_copy(
            crows, out_hbm.at[pl.ds(off, K)], sem_w)

    _fire(0, ugrp_a, igrp_a, sem_a)

    def _pair(c, carry):
        e = 2 * c

        @pl.when(c > 0)
        def _():
            _wdesc(crows_a, sem_wa, 0).wait()

        _fire(e + 1, ugrp_b, igrp_b, sem_b)
        _drain(ugrp_a, igrp_a, sem_a)
        _extract(e, ugrp_a, igrp_a, crows_a)
        _wdesc(crows_a, sem_wa, e).start()

        @pl.when(c > 0)
        def _():
            _wdesc(crows_b, sem_wb, 0).wait()

        @pl.when(c + 1 < NCHUNK // 2)
        def _():
            _fire(e + 2, ugrp_a, igrp_a, sem_a)

        _drain(ugrp_b, igrp_b, sem_b)
        _extract(e + 1, ugrp_b, igrp_b, crows_b)
        _wdesc(crows_b, sem_wb, e + 1).start()
        return carry

    lax.fori_loop(0, NCHUNK // 2, _pair, 0)
    _wdesc(crows_a, sem_wa, 0).wait()
    _wdesc(crows_b, sem_wb, 0).wait()


def kernel(uid, iid, table_uid, table_iid):
    uid = uid.astype(jnp.int32)
    iid = iid.astype(jnp.int32)
    return _emb_kernel(uid, iid, table_uid, table_iid)

# --- scband reference (transcript-rebuilt; emitter-appended) ---
"""Pipeline reference for scband-label-embedder-2379411882496 (READ-ONLY COPY).

The authoritative reference and input builder live on the scoring server;
editing this copy changes nothing except your own understanding.
"""

import jax, jax.numpy as jnp
import numpy as np

BATCH = 16384
EMB_DIM = 64
VOCAB_UID = 1000000
VOCAB_IID = 100000


def setup_inputs(seed: int = 0) -> dict:
    key = jax.random.key(seed)
    k1, k2, k3, k4 = jax.random.split(key, 4)
    uid = jax.random.randint(k1, (BATCH,), 0, VOCAB_UID, dtype=jnp.int64 if jax.config.jax_enable_x64 else jnp.int32)
    iid = jax.random.randint(k2, (BATCH,), 0, VOCAB_IID, dtype=jnp.int64 if jax.config.jax_enable_x64 else jnp.int32)
    table_uid = jax.random.normal(k3, (VOCAB_UID, EMB_DIM), dtype=jnp.float32) * 0.02
    table_iid = jax.random.normal(k4, (VOCAB_IID, EMB_DIM), dtype=jnp.float32) * 0.02
    return {"uid": uid, "iid": iid, "table_uid": table_uid, "table_iid": table_iid}


def reference(uid, iid, table_uid, table_iid):
    # LabelEmbedder.forward: per-key embedding lookup, then concat along dim=1
    emb_uid = jnp.take(table_uid, uid, axis=0)  # (B, emb_dim)
    emb_iid = jnp.take(table_iid, iid, axis=0)  # (B, emb_dim)
    c = jnp.concatenate([emb_uid, emb_iid], axis=1)  # (B, 2*emb_dim)
    return c

if __name__ == "__main__":
    import jax
    _d = setup_inputs()
    print(jax.jit(kernel)(*tuple(_d.values())))

</pallas_src>

<mosaic_0001>
#map = affine_map<(d0, d1) -> (0)>
#map1 = affine_map<(d0, d1) -> (0, 0)>
module attributes {stable_mosaic.version = 14 : i64} {
  func.func @_emb_kernel(%arg0: i32, %arg1: i32, %arg2: memref<16384xi32, #tpu.memory_space<hbm>>, %arg3: memref<16384xi32, #tpu.memory_space<hbm>>, %arg4: memref<1000000x64xf32, #tpu.memory_space<hbm>>, %arg5: memref<100000x64xf32, #tpu.memory_space<hbm>>, %arg6: memref<16384x128xf32, #tpu.memory_space<hbm>>, %arg7: memref<512xi32, #tpu.memory_space<vmem>>, %arg8: memref<512xi32, #tpu.memory_space<vmem>>, %arg9: memref<512xi32, #tpu.memory_space<smem>>, %arg10: memref<512xi32, #tpu.memory_space<smem>>, %arg11: memref<128x64xf32, #tpu.memory_space<vmem>>, %arg12: memref<128x64xf32, #tpu.memory_space<vmem>>, %arg13: memref<128x64xf32, #tpu.memory_space<vmem>>, %arg14: memref<128x64xf32, #tpu.memory_space<vmem>>, %arg15: memref<16x128xf32, #tpu.memory_space<vmem>>, %arg16: memref<16x128xf32, #tpu.memory_space<vmem>>, %arg17: memref<!tpu.dma_semaphore, #tpu.memory_space<semaphore_mem>>, %arg18: memref<!tpu.dma_semaphore, #tpu.memory_space<semaphore_mem>>, %arg19: memref<!tpu.dma_semaphore, #tpu.memory_space<semaphore_mem>>, %arg20: memref<!tpu.dma_semaphore, #tpu.memory_space<semaphore_mem>>) attributes {dimension_semantics = [#tpu.dimension_semantics<core_parallel>, #tpu.dimension_semantics<subcore_parallel>], iteration_bounds = array<i64: 2, 16>, scalar_prefetch = 0 : i64, scratch_operands = 14 : i64, tpu.core_type = #tpu.core_type<sc_vector_subcore>, window_params = [{transform_indices = #map}, {transform_indices = #map}, {transform_indices = #map1}, {transform_indices = #map1}, {transform_indices = #map1}]} {
    %mul3A = arith.constant 2 : i32
    %mul3A_0 = arith.muli %arg1, %mul3A : i32
    %add3A = arith.addi %mul3A_0, %arg0 : i32
    %mul3A_1 = arith.constant 512 : i32
    %mul3A_2 = arith.muli %add3A, %mul3A_1 : i32
    "tpu.region"() ({
      %run_scoped3A = tpu.sem_alloc : memref<!tpu.dma_semaphore, #tpu.memory_space<semaphore_mem>>
      %dma_start3A = tpu.memref_slice %arg2[%mul3A_2] : memref<16384xi32, #tpu.memory_space<hbm>> -> memref<512xi32, #tpu.memory_space<hbm>>
      %dma_start3A_32 = tpu.memref_slice %arg2[%mul3A_2] : memref<16384xi32, #tpu.memory_space<hbm>> -> memref<512xi32, #tpu.memory_space<hbm>>
      tpu.enqueue_dma source(%dma_start3A_32 : memref<512xi32, #tpu.memory_space<hbm>>) target(%arg7 : memref<512xi32, #tpu.memory_space<vmem>>) target_semaphore(%run_scoped3A : memref<!tpu.dma_semaphore, #tpu.memory_space<semaphore_mem>>)
      %dma_wait3A_33 = tpu.memref_slice %arg2[%mul3A_2] : memref<16384xi32, #tpu.memory_space<hbm>> -> memref<512xi32, #tpu.memory_space<hbm>>
      %dma_wait3A_34 = tpu.memref_slice %arg2[%mul3A_2] : memref<16384xi32, #tpu.memory_space<hbm>> -> memref<512xi32, #tpu.memory_space<hbm>>
      tpu.wait_dma2 semaphore(%run_scoped3A : memref<!tpu.dma_semaphore, #tpu.memory_space<semaphore_mem>>) src(%dma_wait3A_34 : memref<512xi32, #tpu.memory_space<hbm>>) dst(%arg7 : memref<512xi32, #tpu.memory_space<vmem>>)
      tpu.yield
    }) : () -> ()
    "tpu.region"() ({
      %run_scoped3A = tpu.sem_alloc : memref<!tpu.dma_semaphore, #tpu.memory_space<semaphore_mem>>
      %dma_start3A = tpu.memref_slice %arg3[%mul3A_2] : memref<16384xi32, #tpu.memory_space<hbm>> -> memref<512xi32, #tpu.memory_space<hbm>>
      %dma_start3A_32 = tpu.memref_slice %arg3[%mul3A_2] : memref<16384xi32, #tpu.memory_space<hbm>> -> memref<512xi32, #tpu.memory_space<hbm>>
      tpu.enqueue_dma source(%dma_start3A_32 : memref<512xi32, #tpu.memory_space<hbm>>) target(%arg8 : memref<512xi32, #tpu.memory_space<vmem>>) target_semaphore(%run_scoped3A : memref<!tpu.dma_semaphore, #tpu.memory_space<semaphore_mem>>)
      %dma_wait3A_33 = tpu.memref_slice %arg3[%mul3A_2] : memref<16384xi32, #tpu.memory_space<hbm>> -> memref<512xi32, #tpu.memory_space<hbm>>
      %dma_wait3A_34 = tpu.memref_slice %arg3[%mul3A_2] : memref<16384xi32, #tpu.memory_space<hbm>> -> memref<512xi32, #tpu.memory_space<hbm>>
      tpu.wait_dma2 semaphore(%run_scoped3A : memref<!tpu.dma_semaphore, #tpu.memory_space<semaphore_mem>>) src(%dma_wait3A_34 : memref<512xi32, #tpu.memory_space<hbm>>) dst(%arg8 : memref<512xi32, #tpu.memory_space<vmem>>)
      tpu.yield
    }) : () -> ()
    %scan3A = arith.constant 0 : i32
    %scan3A_3 = arith.constant 0 : i32
    %scan3A_4 = arith.constant 32 : i32
    %scan3A_5 = arith.addi %scan3A_3, %scan3A_4 : i32
    %scan3A_6 = arith.constant 1 : i32
    scf.for %scan3A_32 = %scan3A_3 to %scan3A_5 step %scan3A_6  : i32 {
      %mul3A_33 = arith.constant 16 : i32
      %mul3A_34 = arith.muli %scan3A_32, %mul3A_33 : i32
      %get3A = arith.index_cast %mul3A_34 : i32 to index
      %get3A_35 = tpu.vector_load %arg7[%get3A] {strides = array<i32>} : memref<512xi32, #tpu.memory_space<vmem>>, vector<16xi32>,
      %get3A_36 = vector.shape_cast %get3A_35 : vector<16xi32> to vector<16xi32>
      %mul3A_37 = arith.constant 16 : i32
      %mul3A_38 = arith.muli %scan3A_32, %mul3A_37 : i32
      %get3A_39 = arith.index_cast %mul3A_38 : i32 to index
      %get3A_40 = tpu.vector_load %arg8[%get3A_39] {strides = array<i32>} : memref<512xi32, #tpu.memory_space<vmem>>, vector<16xi32>,
      %get3A_41 = vector.shape_cast %get3A_40 : vector<16xi32> to vector<16xi32>
      %slice3A = vector.extract_strided_slice %get3A_36 {offsets = [0], sizes = [1], strides = [1]} : vector<16xi32> to vector<1xi32>
      %squeeze3A = vector.extract %slice3A[0] : i32 from vector<1xi32>
      %mul3A_42 = arith.constant 16 : i32
      %mul3A_43 = arith.muli %scan3A_32, %mul3A_42 : i32
      %add3A_44 = arith.constant 0 : i32
      %add3A_45 = arith.addi %mul3A_43, %add3A_44 : i32
      %swap3A = arith.index_cast %add3A_45 : i32 to index
      %swap3A_46 = memref.load %arg9[%swap3A] : memref<512xi32, #tpu.memory_space<smem>>
      memref.store %squeeze3A, %arg9[%swap3A] : memref<512xi32, #tpu.memory_space<smem>>
      %slice3A_47 = vector.extract_strided_slice %get3A_41 {offsets = [0], sizes = [1], strides = [1]} : vector<16xi32> to vector<1xi32>
      %squeeze3A_48 = vector.extract %slice3A_47[0] : i32 from vector<1xi32>
      %mul3A_49 = arith.constant 16 : i32
      %mul3A_50 = arith.muli %scan3A_32, %mul3A_49 : i32
      %add3A_51 = arith.constant 0 : i32
      %add3A_52 = arith.addi %mul3A_50, %add3A_51 : i32
      %swap3A_53 = arith.index_cast %add3A_52 : i32 to index
      %swap3A_54 = memref.load %arg10[%swap3A_53] : memref<512xi32, #tpu.memory_space<smem>>
      memref.store %squeeze3A_48, %arg10[%swap3A_53] : memref<512xi32, #tpu.memory_space<smem>>
      %slice3A_55 = vector.extract_strided_slice %get3A_36 {offsets = [1], sizes = [1], strides = [1]} : vector<16xi32> to vector<1xi32>
      %squeeze3A_56 = vector.extract %slice3A_55[0] : i32 from vector<1xi32>
      %mul3A_57 = arith.constant 16 : i32
      %mul3A_58 = arith.muli %scan3A_32, %mul3A_57 : i32
      %add3A_59 = arith.constant 1 : i32
      %add3A_60 = arith.addi %mul3A_58, %add3A_59 : i32
      %swap3A_61 = arith.index_cast %add3A_60 : i32 to index
      %swap3A_62 = memref.load %arg9[%swap3A_61] : memref<512xi32, #tpu.memory_space<smem>>
      memref.store %squeeze3A_56, %arg9[%swap3A_61] : memref<512xi32, #tpu.memory_space<smem>>
      %slice3A_63 = vector.extract_strided_slice %get3A_41 {offsets = [1], sizes = [1], strides = [1]} : vector<16xi32> to vector<1xi32>
      %squeeze3A_64 = vector.extract %slice3A_63[0] : i32 from vector<1xi32>
      %mul3A_65 = arith.constant 16 : i32
      %mul3A_66 = arith.muli %scan3A_32, %mul3A_65 : i32
      %add3A_67 = arith.constant 1 : i32
      %add3A_68 = arith.addi %mul3A_66, %add3A_67 : i32
      %swap3A_69 = arith.index_cast %add3A_68 : i32 to index
      %swap3A_70 = memref.load %arg10[%swap3A_69] : memref<512xi32, #tpu.memory_space<smem>>
      memref.store %squeeze3A_64, %arg10[%swap3A_69] : memref<512xi32, #tpu.memory_space<smem>>
      %slice3A_71 = vector.extract_strided_slice %get3A_36 {offsets = [2], sizes = [1], strides = [1]} : vector<16xi32> to vector<1xi32>
      %squeeze3A_72 = vector.extract %slice3A_71[0] : i32 from vector<1xi32>
      %mul3A_73 = arith.constant 16 : i32
      %mul3A_74 = arith.muli %scan3A_32, %mul3A_73 : i32
      %add3A_75 = arith.constant 2 : i32
      %add3A_76 = arith.addi %mul3A_74, %add3A_75 : i32
      %swap3A_77 = arith.index_cast %add3A_76 : i32 to index
      %swap3A_78 = memref.load %arg9[%swap3A_77] : memref<512xi32, #tpu.memory_space<smem>>
      memref.store %squeeze3A_72, %arg9[%swap3A_77] : memref<512xi32, #tpu.memory_space<smem>>
      %slice3A_79 = vector.extract_strided_slice %get3A_41 {offsets = [2], sizes = [1], strides = [1]} : vector<16xi32> to vector<1xi32>
      %squeeze3A_80 = vector.extract %slice3A_79[0] : i32 from vector<1xi32>
      %mul3A_81 = arith.constant 16 : i32
      %mul3A_82 = arith.muli %scan3A_32, %mul3A_81 : i32
      %add3A_83 = arith.constant 2 : i32
      %add3A_84 = arith.addi %mul3A_82, %add3A_83 : i32
      %swap3A_85 = arith.index_cast %add3A_84 : i32 to index
      %swap3A_86 = memref.load %arg10[%swap3A_85] : memref<512xi32, #tpu.memory_space<smem>>
      memref.store %squeeze3A_80, %arg10[%swap3A_85] : memref<512xi32, #tpu.memory_space<smem>>
      %slice3A_87 = vector.extract_strided_slice %get3A_36 {offsets = [3], sizes = [1], strides = [1]} : vector<16xi32> to vector<1xi32>
      %squeeze3A_88 = vector.extract %slice3A_87[0] : i32 from vector<1xi32>
      %mul3A_89 = arith.constant 16 : i32
      %mul3A_90 = arith.muli %scan3A_32, %mul3A_89 : i32
      %add3A_91 = arith.constant 3 : i32
      %add3A_92 = arith.addi %mul3A_90, %add3A_91 : i32
      %swap3A_93 = arith.index_cast %add3A_92 : i32 to index
      %swap3A_94 = memref.load %arg9[%swap3A_93] : memref<512xi32, #tpu.memory_space<smem>>
      memref.store %squeeze3A_88, %arg9[%swap3A_93] : memref<512xi32, #tpu.memory_space<smem>>
      %slice3A_95 = vector.extract_strided_slice %get3A_41 {offsets = [3], sizes = [1], strides = [1]} : vector<16xi32> to vector<1xi32>
      %squeeze3A_96 = vector.extract %slice3A_95[0] : i32 from vector<1xi32>
      %mul3A_97 = arith.constant 16 : i32
      %mul3A_98 = arith.muli %scan3A_32, %mul3A_97 : i32
      %add3A_99 = arith.constant 3 : i32
      %add3A_100 = arith.addi %mul3A_98, %add3A_99 : i32
      %swap3A_101 = arith.index_cast %add3A_100 : i32 to index
      %swap3A_102 = memref.load %arg10[%swap3A_101] : memref<512xi32, #tpu.memory_space<smem>>
      memref.store %squeeze3A_96, %arg10[%swap3A_101] : memref<512xi32, #tpu.memory_space<smem>>
      %slice3A_103 = vector.extract_strided_slice %get3A_36 {offsets = [4], sizes = [1], strides = [1]} : vector<16xi32> to vector<1xi32>
      %squeeze3A_104 = vector.extract %slice3A_103[0] : i32 from vector<1xi32>
      %mul3A_105 = arith.constant 16 : i32
      %mul3A_106 = arith.muli %scan3A_32, %mul3A_105 : i32
      %add3A_107 = arith.constant 4 : i32
      %add3A_108 = arith.addi %mul3A_106, %add3A_107 : i32
      %swap3A_109 = arith.index_cast %add3A_108 : i32 to index
      %swap3A_110 = memref.load %arg9[%swap3A_109] : memref<512xi32, #tpu.memory_space<smem>>
      memref.store %squeeze3A_104, %arg9[%swap3A_109] : memref<512xi32, #tpu.memory_space<smem>>
      %slice3A_111 = vector.extract_strided_slice %get3A_41 {offsets = [4], sizes = [1], strides = [1]} : vector<16xi32> to vector<1xi32>
      %squeeze3A_112 = vector.extract %slice3A_111[0] : i32 from vector<1xi32>
      %mul3A_113 = arith.constant 16 : i32
      %mul3A_114 = arith.muli %scan3A_32, %mul3A_113 : i32
      %add3A_115 = arith.constant 4 : i32
      %add3A_116 = arith.addi %mul3A_114, %add3A_115 : i32
      %swap3A_117 = arith.index_cast %add3A_116 : i32 to index
      %swap3A_118 = memref.load %arg10[%swap3A_117] : memref<512xi32, #tpu.memory_space<smem>>
      memref.store %squeeze3A_112, %arg10[%swap3A_117] : memref<512xi32, #tpu.memory_space<smem>>
      %slice3A_119 = vector.extract_strided_slice %get3A_36 {offsets = [5], sizes = [1], strides = [1]} : vector<16xi32> to vector<1xi32>
      %squeeze3A_120 = vector.extract %slice3A_119[0] : i32 from vector<1xi32>
      %mul3A_121 = arith.constant 16 : i32
      %mul3A_122 = arith.muli %scan3A_32, %mul3A_121 : i32
      %add3A_123 = arith.constant 5 : i32
      %add3A_124 = arith.addi %mul3A_122, %add3A_123 : i32
      %swap3A_125 = arith.index_cast %add3A_124 : i32 to index
      %swap3A_126 = memref.load %arg9[%swap3A_125] : memref<512xi32, #tpu.memory_space<smem>>
      memref.store %squeeze3A_120, %arg9[%swap3A_125] : memref<512xi32, #tpu.memory_space<smem>>
      %slice3A_127 = vector.extract_strided_slice %get3A_41 {offsets = [5], sizes = [1], strides = [1]} : vector<16xi32> to vector<1xi32>
      %squeeze3A_128 = vector.extract %slice3A_127[0] : i32 from vector<1xi32>
      %mul3A_129 = arith.constant 16 : i32
      %mul3A_130 = arith.muli %scan3A_32, %mul3A_129 : i32
      %add3A_131 = arith.constant 5 : i32
      %add3A_132 = arith.addi %mul3A_130, %add3A_131 : i32
      %swap3A_133 = arith.index_cast %add3A_132 : i32 to index
      %swap3A_134 = memref.load %arg10[%swap3A_133] : memref<512xi32, #tpu.memory_space<smem>>
      memref.store %squeeze3A_128, %arg10[%swap3A_133] : memref<512xi32, #tpu.memory_space<smem>>
      %slice3A_135 = vector.extract_strided_slice %get3A_36 {offsets = [6], sizes = [1], strides = [1]} : vector<16xi32> to vector<1xi32>
      %squeeze3A_136 = vector.extract %slice3A_135[0] : i32 from vector<1xi32>
      %mul3A_137 = arith.constant 16 : i32
      %mul3A_138 = arith.muli %scan3A_32, %mul3A_137 : i32
      %add3A_139 = arith.constant 6 : i32
      %add3A_140 = arith.addi %mul3A_138, %add3A_139 : i32
      %swap3A_141 = arith.index_cast %add3A_140 : i32 to index
      %swap3A_142 = memref.load %arg9[%swap3A_141] : memref<512xi32, #tpu.memory_space<smem>>
      memref.store %squeeze3A_136, %arg9[%swap3A_141] : memref<512xi32, #tpu.memory_space<smem>>
      %slice3A_143 = vector.extract_strided_slice %get3A_41 {offsets = [6], sizes = [1], strides = [1]} : vector<16xi32> to vector<1xi32>
      %squeeze3A_144 = vector.extract %slice3A_143[0] : i32 from vector<1xi32>
      %mul3A_145 = arith.constant 16 : i32
      %mul3A_146 = arith.muli %scan3A_32, %mul3A_145 : i32
      %add3A_147 = arith.constant 6 : i32
      %add3A_148 = arith.addi %mul3A_146, %add3A_147 : i32
      %swap3A_149 = arith.index_cast %add3A_148 : i32 to index
      %swap3A_150 = memref.load %arg10[%swap3A_149] : memref<512xi32, #tpu.memory_space<smem>>
      memref.store %squeeze3A_144, %arg10[%swap3A_149] : memref<512xi32, #tpu.memory_space<smem>>
      %slice3A_151 = vector.extract_strided_slice %get3A_36 {offsets = [7], sizes = [1], strides = [1]} : vector<16xi32> to vector<1xi32>
      %squeeze3A_152 = vector.extract %slice3A_151[0] : i32 from vector<1xi32>
      %mul3A_153 = arith.constant 16 : i32
      %mul3A_154 = arith.muli %scan3A_32, %mul3A_153 : i32
      %add3A_155 = arith.constant 7 : i32
      %add3A_156 = arith.addi %mul3A_154, %add3A_155 : i32
      %swap3A_157 = arith.index_cast %add3A_156 : i32 to index
      %swap3A_158 = memref.load %arg9[%swap3A_157] : memref<512xi32, #tpu.memory_space<smem>>
      memref.store %squeeze3A_152, %arg9[%swap3A_157] : memref<512xi32, #tpu.memory_space<smem>>
      %slice3A_159 = vector.extract_strided_slice %get3A_41 {offsets = [7], sizes = [1], strides = [1]} : vector<16xi32> to vector<1xi32>
      %squeeze3A_160 = vector.extract %slice3A_159[0] : i32 from vector<1xi32>
      %mul3A_161 = arith.constant 16 : i32
      %mul3A_162 = arith.muli %scan3A_32, %mul3A_161 : i32
      %add3A_163 = arith.constant 7 : i32
      %add3A_164 = arith.addi %mul3A_162, %add3A_163 : i32
      %swap3A_165 = arith.index_cast %add3A_164 : i32 to index
      %swap3A_166 = memref.load %arg10[%swap3A_165] : memref<512xi32, #tpu.memory_space<smem>>
      memref.store %squeeze3A_160, %arg10[%swap3A_165] : memref<512xi32, #tpu.memory_space<smem>>
      %slice3A_167 = vector.extract_strided_slice %get3A_36 {offsets = [8], sizes = [1], strides = [1]} : vector<16xi32> to vector<1xi32>
      %squeeze3A_168 = vector.extract %slice3A_167[0] : i32 from vector<1xi32>
      %mul3A_169 = arith.constant 16 : i32
      %mul3A_170 = arith.muli %scan3A_32, %mul3A_169 : i32
      %add3A_171 = arith.constant 8 : i32
      %add3A_172 = arith.addi %mul3A_170, %add3A_171 : i32
      %swap3A_173 = arith.index_cast %add3A_172 : i32 to index
      %swap3A_174 = memref.load %arg9[%swap3A_173] : memref<512xi32, #tpu.memory_space<smem>>
      memref.store %squeeze3A_168, %arg9[%swap3A_173] : memref<512xi32, #tpu.memory_space<smem>>
      %slice3A_175 = vector.extract_strided_slice %get3A_41 {offsets = [8], sizes = [1], strides = [1]} : vector<16xi32> to vector<1xi32>
      %squeeze3A_176 = vector.extract %slice3A_175[0] : i32 from vector<1xi32>
      %mul3A_177 = arith.constant 16 : i32
      %mul3A_178 = arith.muli %scan3A_32, %mul3A_177 : i32
      %add3A_179 = arith.constant 8 : i32
      %add3A_180 = arith.addi %mul3A_178, %add3A_179 : i32
      %swap3A_181 = arith.index_cast %add3A_180 : i32 to index
      %swap3A_182 = memref.load %arg10[%swap3A_181] : memref<512xi32, #tpu.memory_space<smem>>
      memref.store %squeeze3A_176, %arg10[%swap3A_181] : memref<512xi32, #tpu.memory_space<smem>>
      %slice3A_183 = vector.extract_strided_slice %get3A_36 {offsets = [9], sizes = [1], strides = [1]} : vector<16xi32> to vector<1xi32>
      %squeeze3A_184 = vector.extract %slice3A_183[0] : i32 from vector<1xi32>
      %mul3A_185 = arith.constant 16 : i32
      %mul3A_186 = arith.muli %scan3A_32, %mul3A_185 : i32
      %add3A_187 = arith.constant 9 : i32
      %add3A_188 = arith.addi %mul3A_186, %add3A_187 : i32
      %swap3A_189 = arith.index_cast %add3A_188 : i32 to index
      %swap3A_190 = memref.load %arg9[%swap3A_189] : memref<512xi32, #tpu.memory_space<smem>>
      memref.store %squeeze3A_184, %arg9[%swap3A_189] : memref<512xi32, #tpu.memory_space<smem>>
      %slice3A_191 = vector.extract_strided_slice %get3A_41 {offsets = [9], sizes = [1], strides = [1]} : vector<16xi32> to vector<1xi32>
      %squeeze3A_192 = vector.extract %slice3A_191[0] : i32 from vector<1xi32>
      %mul3A_193 = arith.constant 16 : i32
      %mul3A_194 = arith.muli %scan3A_32, %mul3A_193 : i32
      %add3A_195 = arith.constant 9 : i32
      %add3A_196 = arith.addi %mul3A_194, %add3A_195 : i32
      %swap3A_197 = arith.index_cast %add3A_196 : i32 to index
      %swap3A_198 = memref.load %arg10[%swap3A_197] : memref<512xi32, #tpu.memory_space<smem>>
      memref.store %squeeze3A_192, %arg10[%swap3A_197] : memref<512xi32, #tpu.memory_space<smem>>
      %slice3A_199 = vector.extract_strided_slice %get3A_36 {offsets = [10], sizes = [1], strides = [1]} : vector<16xi32> to vector<1xi32>
      %squeeze3A_200 = vector.extract %slice3A_199[0] : i32 from vector<1xi32>
      %mul3A_201 = arith.constant 16 : i32
      %mul3A_202 = arith.muli %scan3A_32, %mul3A_201 : i32
      %add3A_203 = arith.constant 10 : i32
      %add3A_204 = arith.addi %mul3A_202, %add3A_203 : i32
      %swap3A_205 = arith.index_cast %add3A_204 : i32 to index
      %swap3A_206 = memref.load %arg9[%swap3A_205] : memref<512xi32, #tpu.memory_space<smem>>
      memref.store %squeeze3A_200, %arg9[%swap3A_205] : memref<512xi32, #tpu.memory_space<smem>>
      %slice3A_207 = vector.extract_strided_slice %get3A_41 {offsets = [10], sizes = [1], strides = [1]} : vector<16xi32> to vector<1xi32>
      %squeeze3A_208 = vector.extract %slice3A_207[0] : i32 from vector<1xi32>
      %mul3A_209 = arith.constant 16 : i32
      %mul3A_210 = arith.muli %scan3A_32, %mul3A_209 : i32
      %add3A_211 = arith.constant 10 : i32
      %add3A_212 = arith.addi %mul3A_210, %add3A_211 : i32
      %swap3A_213 = arith.index_cast %add3A_212 : i32 to index
      %swap3A_214 = memref.load %arg10[%swap3A_213] : memref<512xi32, #tpu.memory_space<smem>>
      memref.store %squeeze3A_208, %arg10[%swap3A_213] : memref<512xi32, #tpu.memory_space<smem>>
      %slice3A_215 = vector.extract_strided_slice %get3A_36 {offsets = [11], sizes = [1], strides = [1]} : vector<16xi32> to vector<1xi32>
      %squeeze3A_216 = vector.extract %slice3A_215[0] : i32 from vector<1xi32>
      %mul3A_217 = arith.constant 16 : i32
      %mul3A_218 = arith.muli %scan3A_32, %mul3A_217 : i32
      %add3A_219 = arith.constant 11 : i32
      %add3A_220 = arith.addi %mul3A_218, %add3A_219 : i32
      %swap3A_221 = arith.index_cast %add3A_220 : i32 to index
      %swap3A_222 = memref.load %arg9[%swap3A_221] : memref<512xi32, #tpu.memory_space<smem>>
      memref.store %squeeze3A_216, %arg9[%swap3A_221] : memref<512xi32, #tpu.memory_space<smem>>
      %slice3A_223 = vector.extract_strided_slice %get3A_41 {offsets = [11], sizes = [1], strides = [1]} : vector<16xi32> to vector<1xi32>
      %squeeze3A_224 = vector.extract %slice3A_223[0] : i32 from vector<1xi32>
      %mul3A_225 = arith.constant 16 : i32
      %mul3A_226 = arith.muli %scan3A_32, %mul3A_225 : i32
      %add3A_227 = arith.constant 11 : i32
      %add3A_228 = arith.addi %mul3A_226, %add3A_227 : i32
      %swap3A_229 = arith.index_cast %add3A_228 : i32 to index
      %swap3A_230 = memref.load %arg10[%swap3A_229] : memref<512xi32, #tpu.memory_space<smem>>
      memref.store %squeeze3A_224, %arg10[%swap3A_229] : memref<512xi32, #tpu.memory_space<smem>>
      %slice3A_231 = vector.extract_strided_slice %get3A_36 {offsets = [12], sizes = [1], strides = [1]} : vector<16xi32> to vector<1xi32>
      %squeeze3A_232 = vector.extract %slice3A_231[0] : i32 from vector<1xi32>
      %mul3A_233 = arith.constant 16 : i32
      %mul3A_234 = arith.muli %scan3A_32, %mul3A_233 : i32
      %add3A_235 = arith.constant 12 : i32
      %add3A_236 = arith.addi %mul3A_234, %add3A_235 : i32
      %swap3A_237 = arith.index_cast %add3A_236 : i32 to index
      %swap3A_238 = memref.load %arg9[%swap3A_237] : memref<512xi32, #tpu.memory_space<smem>>
      memref.store %squeeze3A_232, %arg9[%swap3A_237] : memref<512xi32, #tpu.memory_space<smem>>
      %slice3A_239 = vector.extract_strided_slice %get3A_41 {offsets = [12], sizes = [1], strides = [1]} : vector<16xi32> to vector<1xi32>
      %squeeze3A_240 = vector.extract %slice3A_239[0] : i32 from vector<1xi32>
      %mul3A_241 = arith.constant 16 : i32
      %mul3A_242 = arith.muli %scan3A_32, %mul3A_241 : i32
      %add3A_243 = arith.constant 12 : i32
      %add3A_244 = arith.addi %mul3A_242, %add3A_243 : i32
      %swap3A_245 = arith.index_cast %add3A_244 : i32 to index
      %swap3A_246 = memref.load %arg10[%swap3A_245] : memref<512xi32, #tpu.memory_space<smem>>
      memref.store %squeeze3A_240, %arg10[%swap3A_245] : memref<512xi32, #tpu.memory_space<smem>>
      %slice3A_247 = vector.extract_strided_slice %get3A_36 {offsets = [13], sizes = [1], strides = [1]} : vector<16xi32> to vector<1xi32>
      %squeeze3A_248 = vector.extract %slice3A_247[0] : i32 from vector<1xi32>
      %mul3A_249 = arith.constant 16 : i32
      %mul3A_250 = arith.muli %scan3A_32, %mul3A_249 : i32
      %add3A_251 = arith.constant 13 : i32
      %add3A_252 = arith.addi %mul3A_250, %add3A_251 : i32
      %swap3A_253 = arith.index_cast %add3A_252 : i32 to index
      %swap3A_254 = memref.load %arg9[%swap3A_253] : memref<512xi32, #tpu.memory_space<smem>>
      memref.store %squeeze3A_248, %arg9[%swap3A_253] : memref<512xi32, #tpu.memory_space<smem>>
      %slice3A_255 = vector.extract_strided_slice %get3A_41 {offsets = [13], sizes = [1], strides = [1]} : vector<16xi32> to vector<1xi32>
      %squeeze3A_256 = vector.extract %slice3A_255[0] : i32 from vector<1xi32>
      %mul3A_257 = arith.constant 16 : i32
      %mul3A_258 = arith.muli %scan3A_32, %mul3A_257 : i32
      %add3A_259 = arith.constant 13 : i32
      %add3A_260 = arith.addi %mul3A_258, %add3A_259 : i32
      %swap3A_261 = arith.index_cast %add3A_260 : i32 to index
      %swap3A_262 = memref.load %arg10[%swap3A_261] : memref<512xi32, #tpu.memory_space<smem>>
      memref.store %squeeze3A_256, %arg10[%swap3A_261] : memref<512xi32, #tpu.memory_space<smem>>
      %slice3A_263 = vector.extract_strided_slice %get3A_36 {offsets = [14], sizes = [1], strides = [1]} : vector<16xi32> to vector<1xi32>
      %squeeze3A_264 = vector.extract %slice3A_263[0] : i32 from vector<1xi32>
      %mul3A_265 = arith.constant 16 : i32
      %mul3A_266 = arith.muli %scan3A_32, %mul3A_265 : i32
      %add3A_267 = arith.constant 14 : i32
      %add3A_268 = arith.addi %mul3A_266, %add3A_267 : i32
      %swap3A_269 = arith.index_cast %add3A_268 : i32 to index
      %swap3A_270 = memref.load %arg9[%swap3A_269] : memref<512xi32, #tpu.memory_space<smem>>
      memref.store %squeeze3A_264, %arg9[%swap3A_269] : memref<512xi32, #tpu.memory_space<smem>>
      %slice3A_271 = vector.extract_strided_slice %get3A_41 {offsets = [14], sizes = [1], strides = [1]} : vector<16xi32> to vector<1xi32>
      %squeeze3A_272 = vector.extract %slice3A_271[0] : i32 from vector<1xi32>
      %mul3A_273 = arith.constant 16 : i32
      %mul3A_274 = arith.muli %scan3A_32, %mul3A_273 : i32
      %add3A_275 = arith.constant 14 : i32
      %add3A_276 = arith.addi %mul3A_274, %add3A_275 : i32
      %swap3A_277 = arith.index_cast %add3A_276 : i32 to index
      %swap3A_278 = memref.load %arg10[%swap3A_277] : memref<512xi32, #tpu.memory_space<smem>>
      memref.store %squeeze3A_272, %arg10[%swap3A_277] : memref<512xi32, #tpu.memory_space<smem>>
      %slice3A_279 = vector.extract_strided_slice %get3A_36 {offsets = [15], sizes = [1], strides = [1]} : vector<16xi32> to vector<1xi32>
      %squeeze3A_280 = vector.extract %slice3A_279[0] : i32 from vector<1xi32>
      %mul3A_281 = arith.constant 16 : i32
      %mul3A_282 = arith.muli %scan3A_32, %mul3A_281 : i32
      %add3A_283 = arith.constant 15 : i32
      %add3A_284 = arith.addi %mul3A_282, %add3A_283 : i32
      %swap3A_285 = arith.index_cast %add3A_284 : i32 to index
      %swap3A_286 = memref.load %arg9[%swap3A_285] : memref<512xi32, #tpu.memory_space<smem>>
      memref.store %squeeze3A_280, %arg9[%swap3A_285] : memref<512xi32, #tpu.memory_space<smem>>
      %slice3A_287 = vector.extract_strided_slice %get3A_41 {offsets = [15], sizes = [1], strides = [1]} : vector<16xi32> to vector<1xi32>
      %squeeze3A_288 = vector.extract %slice3A_287[0] : i32 from vector<1xi32>
      %mul3A_289 = arith.constant 16 : i32
      %mul3A_290 = arith.muli %scan3A_32, %mul3A_289 : i32
      %add3A_291 = arith.constant 15 : i32
      %add3A_292 = arith.addi %mul3A_290, %add3A_291 : i32
      %swap3A_293 = arith.index_cast %add3A_292 : i32 to index
      %swap3A_294 = memref.load %arg10[%swap3A_293] : memref<512xi32, #tpu.memory_space<smem>>
      memref.store %squeeze3A_288, %arg10[%swap3A_293] : memref<512xi32, #tpu.memory_space<smem>>
    }
    %scan3A_7 = arith.constant 32 : i32
    %scan3A_8 = arith.constant 0 : i32
    %scan3A_9 = arith.constant 0 : i32
    %scan3A_10 = arith.constant 16 : i32
    %scan3A_11 = arith.addi %scan3A_9, %scan3A_10 : i32
    %scan3A_12 = arith.constant 1 : i32
    scf.for %scan3A_32 = %scan3A_9 to %scan3A_11 step %scan3A_12  : i32 {
      %add3A_33 = arith.constant 0 : i32
      %add3A_34 = arith.addi %add3A_33, %scan3A_32 : i32
      %get3A = arith.index_cast %add3A_34 : i32 to index
      %get3A_35 = memref.load %arg9[%get3A] : memref<512xi32, #tpu.memory_space<smem>>
      %shift_right_arithmetic3A = arith.constant 3 : i32
      %shift_right_arithmetic3A_36 = arith.shrsi %get3A_35, %shift_right_arithmetic3A : i32
      %shift_left3A = arith.constant 3 : i32
      %shift_left3A_37 = arith.shli %shift_right_arithmetic3A_36, %shift_left3A : i32
      %multiple_of3A_38 = tpu.assume_multiple %shift_left3A_37, 8 : i32
      %add3A_39 = arith.constant 0 : i32
      %add3A_40 = arith.addi %add3A_39, %scan3A_32 : i32
      %get3A_41 = arith.index_cast %add3A_40 : i32 to index
      %get3A_42 = memref.load %arg10[%get3A_41] : memref<512xi32, #tpu.memory_space<smem>>
      %shift_right_arithmetic3A_43 = arith.constant 3 : i32
      %shift_right_arithmetic3A_44 = arith.shrsi %get3A_42, %shift_right_arithmetic3A_43 : i32
      %shift_left3A_45 = arith.constant 3 : i32
      %shift_left3A_46 = arith.shli %shift_right_arithmetic3A_44, %shift_left3A_45 : i32
      %multiple_of3A_47 = tpu.assume_multiple %shift_left3A_46, 8 : i32
      %mul3A_48 = arith.constant 8 : i32
      %mul3A_49 = arith.muli %scan3A_32, %mul3A_48 : i32
      %dma_start3A = arith.constant 0 : i32
      %dma_start3A_50 = tpu.memref_slice %arg11[%mul3A_49, %dma_start3A] : memref<128x64xf32, #tpu.memory_space<vmem>> -> memref<8x64xf32, #tpu.memory_space<vmem>>
      %dma_start3A_51 = arith.constant 0 : i32
      %dma_start3A_52 = tpu.memref_slice %arg4[%multiple_of3A_38, %dma_start3A_51] : memref<1000000x64xf32, #tpu.memory_space<hbm>> -> memref<8x64xf32, #tpu.memory_space<hbm>>
      %dma_start3A_53 = arith.constant 0 : i32
      %dma_start3A_54 = tpu.memref_slice %arg11[%mul3A_49, %dma_start3A_53] : memref<128x64xf32, #tpu.memory_space<vmem>> -> memref<8x64xf32, #tpu.memory_space<vmem>>
      %dma_start3A_55 = arith.constant 0 : i32
      %dma_start3A_56 = tpu.memref_slice %arg4[%multiple_of3A_38, %dma_start3A_55] : memref<1000000x64xf32, #tpu.memory_space<hbm>> -> memref<8x64xf32, #tpu.memory_space<hbm>>
      tpu.enqueue_dma source(%dma_start3A_56 : memref<8x64xf32, #tpu.memory_space<hbm>>) target(%dma_start3A_54 : memref<8x64xf32, #tpu.memory_space<vmem>>) target_semaphore(%arg17 : memref<!tpu.dma_semaphore, #tpu.memory_space<semaphore_mem>>)
      %mul3A_57 = arith.constant 8 : i32
      %mul3A_58 = arith.muli %scan3A_32, %mul3A_57 : i32
      %dma_start3A_59 = arith.constant 0 : i32
      %dma_start3A_60 = tpu.memref_slice %arg13[%mul3A_58, %dma_start3A_59] : memref<128x64xf32, #tpu.memory_space<vmem>> -> memref<8x64xf32, #tpu.memory_space<vmem>>
      %dma_start3A_61 = arith.constant 0 : i32
      %dma_start3A_62 = tpu.memref_slice %arg5[%multiple_of3A_47, %dma_start3A_61] : memref<100000x64xf32, #tpu.memory_space<hbm>> -> memref<8x64xf32, #tpu.memory_space<hbm>>
      %dma_start3A_63 = arith.constant 0 : i32
      %dma_start3A_64 = tpu.memref_slice %arg13[%mul3A_58, %dma_start3A_63] : memref<128x64xf32, #tpu.memory_space<vmem>> -> memref<8x64xf32, #tpu.memory_space<vmem>>
      %dma_start3A_65 = arith.constant 0 : i32
      %dma_start3A_66 = tpu.memref_slice %arg5[%multiple_of3A_47, %dma_start3A_65] : memref<100000x64xf32, #tpu.memory_space<hbm>> -> memref<8x64xf32, #tpu.memory_space<hbm>>
      tpu.enqueue_dma source(%dma_start3A_66 : memref<8x64xf32, #tpu.memory_space<hbm>>) target(%dma_start3A_64 : memref<8x64xf32, #tpu.memory_space<vmem>>) target_semaphore(%arg17 : memref<!tpu.dma_semaphore, #tpu.memory_space<semaphore_mem>>)
    }
    %scan3A_13 = arith.constant 16 : i32
    %scan3A_14 = arith.constant 0 : i32
    %scan3A_15 = arith.constant 0 : i32
    %scan3A_16 = arith.constant 16 : i32
    %scan3A_17 = arith.addi %scan3A_15, %scan3A_16 : i32
    %scan3A_18 = arith.constant 1 : i32
    scf.for %scan3A_32 = %scan3A_15 to %scan3A_17 step %scan3A_18  : i32 {
      %mul3A_33 = arith.constant 2 : i32
      %mul3A_34 = arith.muli %mul3A_33, %scan3A_32 : i32
      %gt3A = arith.constant 0 : i32
      %gt3A_35 = arith.cmpi sgt, %scan3A_32, %gt3A : i32
      %convert_element_type3A = arith.extui %gt3A_35 : i1 to i32
      %cond3A = arith.constant 0 : i32
      %cond3A_36 = arith.cmpi ne, %convert_element_type3A, %cond3A : i32
      scf.if %cond3A_36 {
        %add3A_117 = arith.constant 0 : i32
        %add3A_118 = arith.addi %mul3A_2, %add3A_117 : i32
        %multiple_of3A_119 = tpu.assume_multiple %add3A_118, 8 : i32
        %dma_wait3A_120 = arith.constant 0 : i32
        %dma_wait3A_121 = tpu.memref_slice %arg6[%multiple_of3A_119, %dma_wait3A_120] : memref<16384x128xf32, #tpu.memory_space<hbm>> -> memref<16x128xf32, #tpu.memory_space<hbm>>
        %dma_wait3A_122 = arith.constant 0 : i32
        %dma_wait3A_123 = tpu.memref_slice %arg6[%multiple_of3A_119, %dma_wait3A_122] : memref<16384x128xf32, #tpu.memory_space<hbm>> -> memref<16x128xf32, #tpu.memory_space<hbm>>
        tpu.wait_dma2 semaphore(%arg19 : memref<!tpu.dma_semaphore, #tpu.memory_space<semaphore_mem>>) src(%arg15 : memref<16x128xf32, #tpu.memory_space<vmem>>) dst(%dma_wait3A_123 : memref<16x128xf32, #tpu.memory_space<hbm>>)
      } else {
      }
      %add3A_37 = arith.constant 1 : i32
      %add3A_38 = arith.addi %mul3A_34, %add3A_37 : i32
      %mul3A_39 = arith.constant 16 : i32
      %mul3A_40 = arith.muli %add3A_38, %mul3A_39 : i32
      %scan3A_41 = arith.constant 0 : i32
      %scan3A_42 = arith.constant 0 : i32
      %scan3A_43 = arith.constant 16 : i32
      %scan3A_44 = arith.addi %scan3A_42, %scan3A_43 : i32
      %scan3A_45 = arith.constant 1 : i32
      scf.for %scan3A_117 = %scan3A_42 to %scan3A_44 step %scan3A_45  : i32 {
        %add3A_118 = arith.addi %mul3A_40, %scan3A_117 : i32
        %get3A = arith.index_cast %add3A_118 : i32 to index
        %get3A_119 = memref.load %arg9[%get3A] : memref<512xi32, #tpu.memory_space<smem>>
        %shift_right_arithmetic3A = arith.constant 3 : i32
        %shift_right_arithmetic3A_120 = arith.shrsi %get3A_119, %shift_right_arithmetic3A : i32
        %shift_left3A = arith.constant 3 : i32
        %shift_left3A_121 = arith.shli %shift_right_arithmetic3A_120, %shift_left3A : i32
        %multiple_of3A_122 = tpu.assume_multiple %shift_left3A_121, 8 : i32
        %add3A_123 = arith.addi %mul3A_40, %scan3A_117 : i32
        %get3A_124 = arith.index_cast %add3A_123 : i32 to index
        %get3A_125 = memref.load %arg10[%get3A_124] : memref<512xi32, #tpu.memory_space<smem>>
        %shift_right_arithmetic3A_126 = arith.constant 3 : i32
        %shift_right_arithmetic3A_127 = arith.shrsi %get3A_125, %shift_right_arithmetic3A_126 : i32
        %shift_left3A_128 = arith.constant 3 : i32
        %shift_left3A_129 = arith.shli %shift_right_arithmetic3A_127, %shift_left3A_128 : i32
        %multiple_of3A_130 = tpu.assume_multiple %shift_left3A_129, 8 : i32
        %mul3A_131 = arith.constant 8 : i32
        %mul3A_132 = arith.muli %scan3A_117, %mul3A_131 : i32
        %dma_start3A_133 = arith.constant 0 : i32
        %dma_start3A_134 = tpu.memref_slice %arg12[%mul3A_132, %dma_start3A_133] : memref<128x64xf32, #tpu.memory_space<vmem>> -> memref<8x64xf32, #tpu.memory_space<vmem>>
        %dma_start3A_135 = arith.constant 0 : i32
        %dma_start3A_136 = tpu.memref_slice %arg4[%multiple_of3A_122, %dma_start3A_135] : memref<1000000x64xf32, #tpu.memory_space<hbm>> -> memref<8x64xf32, #tpu.memory_space<hbm>>
        %dma_start3A_137 = arith.constant 0 : i32
        %dma_start3A_138 = tpu.memref_slice %arg12[%mul3A_132, %dma_start3A_137] : memref<128x64xf32, #tpu.memory_space<vmem>> -> memref<8x64xf32, #tpu.memory_space<vmem>>
        %dma_start3A_139 = arith.constant 0 : i32
        %dma_start3A_140 = tpu.memref_slice %arg4[%multiple_of3A_122, %dma_start3A_139] : memref<1000000x64xf32, #tpu.memory_space<hbm>> -> memref<8x64xf32, #tpu.memory_space<hbm>>
        tpu.enqueue_dma source(%dma_start3A_140 : memref<8x64xf32, #tpu.memory_space<hbm>>) target(%dma_start3A_138 : memref<8x64xf32, #tpu.memory_space<vmem>>) target_semaphore(%arg18 : memref<!tpu.dma_semaphore, #tpu.memory_space<semaphore_mem>>)
        %mul3A_141 = arith.constant 8 : i32
        %mul3A_142 = arith.muli %scan3A_117, %mul3A_141 : i32
        %dma_start3A_143 = arith.constant 0 : i32
        %dma_start3A_144 = tpu.memref_slice %arg14[%mul3A_142, %dma_start3A_143] : memref<128x64xf32, #tpu.memory_space<vmem>> -> memref<8x64xf32, #tpu.memory_space<vmem>>
        %dma_start3A_145 = arith.constant 0 : i32
        %dma_start3A_146 = tpu.memref_slice %arg5[%multiple_of3A_130, %dma_start3A_145] : memref<100000x64xf32, #tpu.memory_space<hbm>> -> memref<8x64xf32, #tpu.memory_space<hbm>>
        %dma_start3A_147 = arith.constant 0 : i32
        %dma_start3A_148 = tpu.memref_slice %arg14[%mul3A_142, %dma_start3A_147] : memref<128x64xf32, #tpu.memory_space<vmem>> -> memref<8x64xf32, #tpu.memory_space<vmem>>
        %dma_start3A_149 = arith.constant 0 : i32
        %dma_start3A_150 = tpu.memref_slice %arg5[%multiple_of3A_130, %dma_start3A_149] : memref<100000x64xf32, #tpu.memory_space<hbm>> -> memref<8x64xf32, #tpu.memory_space<hbm>>
        tpu.enqueue_dma source(%dma_start3A_150 : memref<8x64xf32, #tpu.memory_space<hbm>>) target(%dma_start3A_148 : memref<8x64xf32, #tpu.memory_space<vmem>>) target_semaphore(%arg18 : memref<!tpu.dma_semaphore, #tpu.memory_space<semaphore_mem>>)
      }
      %scan3A_46 = arith.constant 16 : i32
      %dma_wait3A_47 = arith.constant 0 : i32
      %dma_wait3A_48 = arith.constant 0 : i32
      %dma_wait3A_49 = tpu.memref_slice %arg4[%dma_wait3A_47, %dma_wait3A_48] : memref<1000000x64xf32, #tpu.memory_space<hbm>> -> memref<128x64xf32, #tpu.memory_space<hbm>>
      %dma_wait3A_50 = arith.constant 0 : i32
      %dma_wait3A_51 = arith.constant 0 : i32
      %dma_wait3A_52 = tpu.memref_slice %arg4[%dma_wait3A_50, %dma_wait3A_51] : memref<1000000x64xf32, #tpu.memory_space<hbm>> -> memref<128x64xf32, #tpu.memory_space<hbm>>
      tpu.wait_dma2 semaphore(%arg17 : memref<!tpu.dma_semaphore, #tpu.memory_space<semaphore_mem>>) src(%dma_wait3A_52 : memref<128x64xf32, #tpu.memory_space<hbm>>) dst(%arg11 : memref<128x64xf32, #tpu.memory_space<vmem>>)
      %dma_wait3A_53 = arith.constant 0 : i32
      %dma_wait3A_54 = arith.constant 0 : i32
      %dma_wait3A_55 = tpu.memref_slice %arg5[%dma_wait3A_53, %dma_wait3A_54] : memref<100000x64xf32, #tpu.memory_space<hbm>> -> memref<128x64xf32, #tpu.memory_space<hbm>>
      %dma_wait3A_56 = arith.constant 0 : i32
      %dma_wait3A_57 = arith.constant 0 : i32
      %dma_wait3A_58 = tpu.memref_slice %arg5[%dma_wait3A_56, %dma_wait3A_57] : memref<100000x64xf32, #tpu.memory_space<hbm>> -> memref<128x64xf32, #tpu.memory_space<hbm>>
      tpu.wait_dma2 semaphore(%arg17 : memref<!tpu.dma_semaphore, #tpu.memory_space<semaphore_mem>>) src(%dma_wait3A_58 : memref<128x64xf32, #tpu.memory_space<hbm>>) dst(%arg13 : memref<128x64xf32, #tpu.memory_space<vmem>>)
      %mul3A_59 = arith.constant 16 : i32
      %mul3A_60 = arith.muli %mul3A_34, %mul3A_59 : i32
      %scan3A_61 = arith.constant 0 : i32
      %scan3A_62 = arith.constant 0 : i32
      %scan3A_63 = arith.constant 16 : i32
      %scan3A_64 = arith.addi %scan3A_62, %scan3A_63 : i32
      %scan3A_65 = arith.constant 1 : i32
      scf.for %scan3A_117 = %scan3A_62 to %scan3A_64 step %scan3A_65  : i32 {
        %mul3A_118 = arith.constant 8 : i32
        %mul3A_119 = arith.muli %scan3A_117, %mul3A_118 : i32
        %add3A_120 = arith.addi %mul3A_60, %scan3A_117 : i32
        %get3A = arith.index_cast %add3A_120 : i32 to index
        %get3A_121 = memref.load %arg9[%get3A] : memref<512xi32, #tpu.memory_space<smem>>
        %and3A = arith.constant 7 : i32
        %and3A_122 = arith.andi %get3A_121, %and3A : i32
        %add3A_123 = arith.addi %mul3A_119, %and3A_122 : i32
        %mul3A_124 = arith.constant 8 : i32
        %mul3A_125 = arith.muli %scan3A_117, %mul3A_124 : i32
        %add3A_126 = arith.addi %mul3A_60, %scan3A_117 : i32
        %get3A_127 = arith.index_cast %add3A_126 : i32 to index
        %get3A_128 = memref.load %arg10[%get3A_127] : memref<512xi32, #tpu.memory_space<smem>>
        %and3A_129 = arith.constant 7 : i32
        %and3A_130 = arith.andi %get3A_128, %and3A_129 : i32
        %add3A_131 = arith.addi %mul3A_125, %and3A_130 : i32
        %get3A_132 = arith.index_cast %add3A_123 : i32 to index
        %get3A_133 = arith.constant 0 : index
        %get3A_134 = tpu.vector_load %arg11[%get3A_132, %get3A_133] {strides = array<i32>} : memref<128x64xf32, #tpu.memory_space<vmem>>, vector<1x16xf32>,
        %get3A_135 = vector.shape_cast %get3A_134 : vector<1x16xf32> to vector<16xf32>
        %swap3A = arith.index_cast %scan3A_117 : i32 to index
        %swap3A_136 = arith.constant 0 : index
        %swap3A_137 = tpu.vector_load %arg15[%swap3A, %swap3A_136] {strides = array<i32>} : memref<16x128xf32, #tpu.memory_space<vmem>>, vector<1x16xf32>,
        %swap3A_138 = vector.shape_cast %swap3A_137 : vector<1x16xf32> to vector<16xf32>
        %swap3A_139 = vector.shape_cast %get3A_135 : vector<16xf32> to vector<1x16xf32>
        tpu.vector_store %arg15[%swap3A, %swap3A_136], %swap3A_139 {strides = array<i32>} : memref<16x128xf32, #tpu.memory_space<vmem>>, vector<1x16xf32>,
        %get3A_140 = arith.index_cast %add3A_131 : i32 to index
        %get3A_141 = arith.constant 0 : index
        %get3A_142 = tpu.vector_load %arg13[%get3A_140, %get3A_141] {strides = array<i32>} : memref<128x64xf32, #tpu.memory_space<vmem>>, vector<1x16xf32>,
        %get3A_143 = vector.shape_cast %get3A_142 : vector<1x16xf32> to vector<16xf32>
        %swap3A_144 = arith.index_cast %scan3A_117 : i32 to index
        %swap3A_145 = arith.constant 64 : index
        %swap3A_146 = tpu.vector_load %arg15[%swap3A_144, %swap3A_145] {strides = array<i32>} : memref<16x128xf32, #tpu.memory_space<vmem>>, vector<1x16xf32>,
        %swap3A_147 = vector.shape_cast %swap3A_146 : vector<1x16xf32> to vector<16xf32>
        %swap3A_148 = vector.shape_cast %get3A_143 : vector<16xf32> to vector<1x16xf32>
        tpu.vector_store %arg15[%swap3A_144, %swap3A_145], %swap3A_148 {strides = array<i32>} : memref<16x128xf32, #tpu.memory_space<vmem>>, vector<1x16xf32>,
        %get3A_149 = arith.index_cast %add3A_123 : i32 to index
        %get3A_150 = arith.constant 16 : index
        %get3A_151 = tpu.vector_load %arg11[%get3A_149, %get3A_150] {strides = array<i32>} : memref<128x64xf32, #tpu.memory_space<vmem>>, vector<1x16xf32>,
        %get3A_152 = vector.shape_cast %get3A_151 : vector<1x16xf32> to vector<16xf32>
        %swap3A_153 = arith.index_cast %scan3A_117 : i32 to index
        %swap3A_154 = arith.constant 16 : index
        %swap3A_155 = tpu.vector_load %arg15[%swap3A_153, %swap3A_154] {strides = array<i32>} : memref<16x128xf32, #tpu.memory_space<vmem>>, vector<1x16xf32>,
        %swap3A_156 = vector.shape_cast %swap3A_155 : vector<1x16xf32> to vector<16xf32>
        %swap3A_157 = vector.shape_cast %get3A_152 : vector<16xf32> to vector<1x16xf32>
        tpu.vector_store %arg15[%swap3A_153, %swap3A_154], %swap3A_157 {strides = array<i32>} : memref<16x128xf32, #tpu.memory_space<vmem>>, vector<1x16xf32>,
        %get3A_158 = arith.index_cast %add3A_131 : i32 to index
        %get3A_159 = arith.constant 16 : index
        %get3A_160 = tpu.vector_load %arg13[%get3A_158, %get3A_159] {strides = array<i32>} : memref<128x64xf32, #tpu.memory_space<vmem>>, vector<1x16xf32>,
        %get3A_161 = vector.shape_cast %get3A_160 : vector<1x16xf32> to vector<16xf32>
        %swap3A_162 = arith.index_cast %scan3A_117 : i32 to index
        %swap3A_163 = arith.constant 80 : index
        %swap3A_164 = tpu.vector_load %arg15[%swap3A_162, %swap3A_163] {strides = array<i32>} : memref<16x128xf32, #tpu.memory_space<vmem>>, vector<1x16xf32>,
        %swap3A_165 = vector.shape_cast %swap3A_164 : vector<1x16xf32> to vector<16xf32>
        %swap3A_166 = vector.shape_cast %get3A_161 : vector<16xf32> to vector<1x16xf32>
        tpu.vector_store %arg15[%swap3A_162, %swap3A_163], %swap3A_166 {strides = array<i32>} : memref<16x128xf32, #tpu.memory_space<vmem>>, vector<1x16xf32>,
        %get3A_167 = arith.index_cast %add3A_123 : i32 to index
        %get3A_168 = arith.constant 32 : index
        %get3A_169 = tpu.vector_load %arg11[%get3A_167, %get3A_168] {strides = array<i32>} : memref<128x64xf32, #tpu.memory_space<vmem>>, vector<1x16xf32>,
        %get3A_170 = vector.shape_cast %get3A_169 : vector<1x16xf32> to vector<16xf32>
        %swap3A_171 = arith.index_cast %scan3A_117 : i32 to index
        %swap3A_172 = arith.constant 32 : index
        %swap3A_173 = tpu.vector_load %arg15[%swap3A_171, %swap3A_172] {strides = array<i32>} : memref<16x128xf32, #tpu.memory_space<vmem>>, vector<1x16xf32>,
        %swap3A_174 = vector.shape_cast %swap3A_173 : vector<1x16xf32> to vector<16xf32>
        %swap3A_175 = vector.shape_cast %get3A_170 : vector<16xf32> to vector<1x16xf32>
        tpu.vector_store %arg15[%swap3A_171, %swap3A_172], %swap3A_175 {strides = array<i32>} : memref<16x128xf32, #tpu.memory_space<vmem>>, vector<1x16xf32>,
        %get3A_176 = arith.index_cast %add3A_131 : i32 to index
        %get3A_177 = arith.constant 32 : index
        %get3A_178 = tpu.vector_load %arg13[%get3A_176, %get3A_177] {strides = array<i32>} : memref<128x64xf32, #tpu.memory_space<vmem>>, vector<1x16xf32>,
        %get3A_179 = vector.shape_cast %get3A_178 : vector<1x16xf32> to vector<16xf32>
        %swap3A_180 = arith.index_cast %scan3A_117 : i32 to index
        %swap3A_181 = arith.constant 96 : index
        %swap3A_182 = tpu.vector_load %arg15[%swap3A_180, %swap3A_181] {strides = array<i32>} : memref<16x128xf32, #tpu.memory_space<vmem>>, vector<1x16xf32>,
        %swap3A_183 = vector.shape_cast %swap3A_182 : vector<1x16xf32> to vector<16xf32>
        %swap3A_184 = vector.shape_cast %get3A_179 : vector<16xf32> to vector<1x16xf32>
        tpu.vector_store %arg15[%swap3A_180, %swap3A_181], %swap3A_184 {strides = array<i32>} : memref<16x128xf32, #tpu.memory_space<vmem>>, vector<1x16xf32>,
        %get3A_185 = arith.index_cast %add3A_123 : i32 to index
        %get3A_186 = arith.constant 48 : index
        %get3A_187 = tpu.vector_load %arg11[%get3A_185, %get3A_186] {strides = array<i32>} : memref<128x64xf32, #tpu.memory_space<vmem>>, vector<1x16xf32>,
        %get3A_188 = vector.shape_cast %get3A_187 : vector<1x16xf32> to vector<16xf32>
        %swap3A_189 = arith.index_cast %scan3A_117 : i32 to index
        %swap3A_190 = arith.constant 48 : index
        %swap3A_191 = tpu.vector_load %arg15[%swap3A_189, %swap3A_190] {strides = array<i32>} : memref<16x128xf32, #tpu.memory_space<vmem>>, vector<1x16xf32>,
        %swap3A_192 = vector.shape_cast %swap3A_191 : vector<1x16xf32> to vector<16xf32>
        %swap3A_193 = vector.shape_cast %get3A_188 : vector<16xf32> to vector<1x16xf32>
        tpu.vector_store %arg15[%swap3A_189, %swap3A_190], %swap3A_193 {strides = array<i32>} : memref<16x128xf32, #tpu.memory_space<vmem>>, vector<1x16xf32>,
        %get3A_194 = arith.index_cast %add3A_131 : i32 to index
        %get3A_195 = arith.constant 48 : index
        %get3A_196 = tpu.vector_load %arg13[%get3A_194, %get3A_195] {strides = array<i32>} : memref<128x64xf32, #tpu.memory_space<vmem>>, vector<1x16xf32>,
        %get3A_197 = vector.shape_cast %get3A_196 : vector<1x16xf32> to vector<16xf32>
        %swap3A_198 = arith.index_cast %scan3A_117 : i32 to index
        %swap3A_199 = arith.constant 112 : index
        %swap3A_200 = tpu.vector_load %arg15[%swap3A_198, %swap3A_199] {strides = array<i32>} : memref<16x128xf32, #tpu.memory_space<vmem>>, vector<1x16xf32>,
        %swap3A_201 = vector.shape_cast %swap3A_200 : vector<1x16xf32> to vector<16xf32>
        %swap3A_202 = vector.shape_cast %get3A_197 : vector<16xf32> to vector<1x16xf32>
        tpu.vector_store %arg15[%swap3A_198, %swap3A_199], %swap3A_202 {strides = array<i32>} : memref<16x128xf32, #tpu.memory_space<vmem>>, vector<1x16xf32>,
      }
      %scan3A_66 = arith.constant 16 : i32
      %mul3A_67 = arith.constant 16 : i32
      %mul3A_68 = arith.muli %mul3A_34, %mul3A_67 : i32
      %add3A_69 = arith.addi %mul3A_2, %mul3A_68 : i32
      %multiple_of3A_70 = tpu.assume_multiple %add3A_69, 8 : i32
      %dma_start3A = arith.constant 0 : i32
      %dma_start3A_71 = tpu.memref_slice %arg6[%multiple_of3A_70, %dma_start3A] : memref<16384x128xf32, #tpu.memory_space<hbm>> -> memref<16x128xf32, #tpu.memory_space<hbm>>
      %dma_start3A_72 = arith.constant 0 : i32
      %dma_start3A_73 = tpu.memref_slice %arg6[%multiple_of3A_70, %dma_start3A_72] : memref<16384x128xf32, #tpu.memory_space<hbm>> -> memref<16x128xf32, #tpu.memory_space<hbm>>
      tpu.enqueue_dma source(%arg15 : memref<16x128xf32, #tpu.memory_space<vmem>>) target(%dma_start3A_73 : memref<16x128xf32, #tpu.memory_space<hbm>>) target_semaphore(%arg19 : memref<!tpu.dma_semaphore, #tpu.memory_space<semaphore_mem>>)
      %gt3A_74 = arith.constant 0 : i32
      %gt3A_75 = arith.cmpi sgt, %scan3A_32, %gt3A_74 : i32
      %convert_element_type3A_76 = arith.extui %gt3A_75 : i1 to i32
      %cond3A_77 = arith.constant 0 : i32
      %cond3A_78 = arith.cmpi ne, %convert_element_type3A_76, %cond3A_77 : i32
      scf.if %cond3A_78 {
        %add3A_117 = arith.constant 0 : i32
        %add3A_118 = arith.addi %mul3A_2, %add3A_117 : i32
        %multiple_of3A_119 = tpu.assume_multiple %add3A_118, 8 : i32
        %dma_wait3A_120 = arith.constant 0 : i32
        %dma_wait3A_121 = tpu.memref_slice %arg6[%multiple_of3A_119, %dma_wait3A_120] : memref<16384x128xf32, #tpu.memory_space<hbm>> -> memref<16x128xf32, #tpu.memory_space<hbm>>
        %dma_wait3A_122 = arith.constant 0 : i32
        %dma_wait3A_123 = tpu.memref_slice %arg6[%multiple_of3A_119, %dma_wait3A_122] : memref<16384x128xf32, #tpu.memory_space<hbm>> -> memref<16x128xf32, #tpu.memory_space<hbm>>
        tpu.wait_dma2 semaphore(%arg20 : memref<!tpu.dma_semaphore, #tpu.memory_space<semaphore_mem>>) src(%arg16 : memref<16x128xf32, #tpu.memory_space<vmem>>) dst(%dma_wait3A_123 : memref<16x128xf32, #tpu.memory_space<hbm>>)
      } else {
      }
      %add3A_79 = arith.constant 1 : i32
      %add3A_80 = arith.addi %scan3A_32, %add3A_79 : i32
      %lt3A = arith.constant 16 : i32
      %lt3A_81 = arith.cmpi slt, %add3A_80, %lt3A : i32
      %convert_element_type3A_82 = arith.extui %lt3A_81 : i1 to i32
      %cond3A_83 = arith.constant 0 : i32
      %cond3A_84 = arith.cmpi ne, %convert_element_type3A_82, %cond3A_83 : i32
      scf.if %cond3A_84 {
        %add3A_117 = arith.constant 2 : i32
        %add3A_118 = arith.addi %mul3A_34, %add3A_117 : i32
        %mul3A_119 = arith.constant 16 : i32
        %mul3A_120 = arith.muli %add3A_118, %mul3A_119 : i32
        %scan3A_121 = arith.constant 0 : i32
        %scan3A_122 = arith.constant 0 : i32
        %scan3A_123 = arith.constant 16 : i32
        %scan3A_124 = arith.addi %scan3A_122, %scan3A_123 : i32
        %scan3A_125 = arith.constant 1 : i32
        scf.for %scan3A_127 = %scan3A_122 to %scan3A_124 step %scan3A_125  : i32 {
          %add3A_128 = arith.addi %mul3A_120, %scan3A_127 : i32
          %get3A = arith.index_cast %add3A_128 : i32 to index
          %get3A_129 = memref.load %arg9[%get3A] : memref<512xi32, #tpu.memory_space<smem>>
          %shift_right_arithmetic3A = arith.constant 3 : i32
          %shift_right_arithmetic3A_130 = arith.shrsi %get3A_129, %shift_right_arithmetic3A : i32
          %shift_left3A = arith.constant 3 : i32
          %shift_left3A_131 = arith.shli %shift_right_arithmetic3A_130, %shift_left3A : i32
          %multiple_of3A_132 = tpu.assume_multiple %shift_left3A_131, 8 : i32
          %add3A_133 = arith.addi %mul3A_120, %scan3A_127 : i32
          %get3A_134 = arith.index_cast %add3A_133 : i32 to index
          %get3A_135 = memref.load %arg10[%get3A_134] : memref<512xi32, #tpu.memory_space<smem>>
          %shift_right_arithmetic3A_136 = arith.constant 3 : i32
          %shift_right_arithmetic3A_137 = arith.shrsi %get3A_135, %shift_right_arithmetic3A_136 : i32
          %shift_left3A_138 = arith.constant 3 : i32
          %shift_left3A_139 = arith.shli %shift_right_arithmetic3A_137, %shift_left3A_138 : i32
          %multiple_of3A_140 = tpu.assume_multiple %shift_left3A_139, 8 : i32
          %mul3A_141 = arith.constant 8 : i32
          %mul3A_142 = arith.muli %scan3A_127, %mul3A_141 : i32
          %dma_start3A_143 = arith.constant 0 : i32
          %dma_start3A_144 = tpu.memref_slice %arg11[%mul3A_142, %dma_start3A_143] : memref<128x64xf32, #tpu.memory_space<vmem>> -> memref<8x64xf32, #tpu.memory_space<vmem>>
          %dma_start3A_145 = arith.constant 0 : i32
          %dma_start3A_146 = tpu.memref_slice %arg4[%multiple_of3A_132, %dma_start3A_145] : memref<1000000x64xf32, #tpu.memory_space<hbm>> -> memref<8x64xf32, #tpu.memory_space<hbm>>
          %dma_start3A_147 = arith.constant 0 : i32
          %dma_start3A_148 = tpu.memref_slice %arg11[%mul3A_142, %dma_start3A_147] : memref<128x64xf32, #tpu.memory_space<vmem>> -> memref<8x64xf32, #tpu.memory_space<vmem>>
          %dma_start3A_149 = arith.constant 0 : i32
          %dma_start3A_150 = tpu.memref_slice %arg4[%multiple_of3A_132, %dma_start3A_149] : memref<1000000x64xf32, #tpu.memory_space<hbm>> -> memref<8x64xf32, #tpu.memory_space<hbm>>
          tpu.enqueue_dma source(%dma_start3A_150 : memref<8x64xf32, #tpu.memory_space<hbm>>) target(%dma_start3A_148 : memref<8x64xf32, #tpu.memory_space<vmem>>) target_semaphore(%arg17 : memref<!tpu.dma_semaphore, #tpu.memory_space<semaphore_mem>>)
          %mul3A_151 = arith.constant 8 : i32
          %mul3A_152 = arith.muli %scan3A_127, %mul3A_151 : i32
          %dma_start3A_153 = arith.constant 0 : i32
          %dma_start3A_154 = tpu.memref_slice %arg13[%mul3A_152, %dma_start3A_153] : memref<128x64xf32, #tpu.memory_space<vmem>> -> memref<8x64xf32, #tpu.memory_space<vmem>>
          %dma_start3A_155 = arith.constant 0 : i32
          %dma_start3A_156 = tpu.memref_slice %arg5[%multiple_of3A_140, %dma_start3A_155] : memref<100000x64xf32, #tpu.memory_space<hbm>> -> memref<8x64xf32, #tpu.memory_space<hbm>>
          %dma_start3A_157 = arith.constant 0 : i32
          %dma_start3A_158 = tpu.memref_slice %arg13[%mul3A_152, %dma_start3A_157] : memref<128x64xf32, #tpu.memory_space<vmem>> -> memref<8x64xf32, #tpu.memory_space<vmem>>
          %dma_start3A_159 = arith.constant 0 : i32
          %dma_start3A_160 = tpu.memref_slice %arg5[%multiple_of3A_140, %dma_start3A_159] : memref<100000x64xf32, #tpu.memory_space<hbm>> -> memref<8x64xf32, #tpu.memory_space<hbm>>
          tpu.enqueue_dma source(%dma_start3A_160 : memref<8x64xf32, #tpu.memory_space<hbm>>) target(%dma_start3A_158 : memref<8x64xf32, #tpu.memory_space<vmem>>) target_semaphore(%arg17 : memref<!tpu.dma_semaphore, #tpu.memory_space<semaphore_mem>>)
        }
        %scan3A_126 = arith.constant 16 : i32
      } else {
      }
      %dma_wait3A_85 = arith.constant 0 : i32
      %dma_wait3A_86 = arith.constant 0 : i32
      %dma_wait3A_87 = tpu.memref_slice %arg4[%dma_wait3A_85, %dma_wait3A_86] : memref<1000000x64xf32, #tpu.memory_space<hbm>> -> memref<128x64xf32, #tpu.memory_space<hbm>>
      %dma_wait3A_88 = arith.constant 0 : i32
      %dma_wait3A_89 = arith.constant 0 : i32
      %dma_wait3A_90 = tpu.memref_slice %arg4[%dma_wait3A_88, %dma_wait3A_89] : memref<1000000x64xf32, #tpu.memory_space<hbm>> -> memref<128x64xf32, #tpu.memory_space<hbm>>
      tpu.wait_dma2 semaphore(%arg18 : memref<!tpu.dma_semaphore, #tpu.memory_space<semaphore_mem>>) src(%dma_wait3A_90 : memref<128x64xf32, #tpu.memory_space<hbm>>) dst(%arg12 : memref<128x64xf32, #tpu.memory_space<vmem>>)
      %dma_wait3A_91 = arith.constant 0 : i32
      %dma_wait3A_92 = arith.constant 0 : i32
      %dma_wait3A_93 = tpu.memref_slice %arg5[%dma_wait3A_91, %dma_wait3A_92] : memref<100000x64xf32, #tpu.memory_space<hbm>> -> memref<128x64xf32, #tpu.memory_space<hbm>>
      %dma_wait3A_94 = arith.constant 0 : i32
      %dma_wait3A_95 = arith.constant 0 : i32
      %dma_wait3A_96 = tpu.memref_slice %arg5[%dma_wait3A_94, %dma_wait3A_95] : memref<100000x64xf32, #tpu.memory_space<hbm>> -> memref<128x64xf32, #tpu.memory_space<hbm>>
      tpu.wait_dma2 semaphore(%arg18 : memref<!tpu.dma_semaphore, #tpu.memory_space<semaphore_mem>>) src(%dma_wait3A_96 : memref<128x64xf32, #tpu.memory_space<hbm>>) dst(%arg14 : memref<128x64xf32, #tpu.memory_space<vmem>>)
      %add3A_97 = arith.constant 1 : i32
      %add3A_98 = arith.addi %mul3A_34, %add3A_97 : i32
      %mul3A_99 = arith.constant 16 : i32
      %mul3A_100 = arith.muli %add3A_98, %mul3A_99 : i32
      %scan3A_101 = arith.constant 0 : i32
      %scan3A_102 = arith.constant 0 : i32
      %scan3A_103 = arith.constant 16 : i32
      %scan3A_104 = arith.addi %scan3A_102, %scan3A_103 : i32
      %scan3A_105 = arith.constant 1 : i32
      scf.for %scan3A_117 = %scan3A_102 to %scan3A_104 step %scan3A_105  : i32 {
        %mul3A_118 = arith.constant 8 : i32
        %mul3A_119 = arith.muli %scan3A_117, %mul3A_118 : i32
        %add3A_120 = arith.addi %mul3A_100, %scan3A_117 : i32
        %get3A = arith.index_cast %add3A_120 : i32 to index
        %get3A_121 = memref.load %arg9[%get3A] : memref<512xi32, #tpu.memory_space<smem>>
        %and3A = arith.constant 7 : i32
        %and3A_122 = arith.andi %get3A_121, %and3A : i32
        %add3A_123 = arith.addi %mul3A_119, %and3A_122 : i32
        %mul3A_124 = arith.constant 8 : i32
        %mul3A_125 = arith.muli %scan3A_117, %mul3A_124 : i32
        %add3A_126 = arith.addi %mul3A_100, %scan3A_117 : i32
        %get3A_127 = arith.index_cast %add3A_126 : i32 to index
        %get3A_128 = memref.load %arg10[%get3A_127] : memref<512xi32, #tpu.memory_space<smem>>
        %and3A_129 = arith.constant 7 : i32
        %and3A_130 = arith.andi %get3A_128, %and3A_129 : i32
        %add3A_131 = arith.addi %mul3A_125, %and3A_130 : i32
        %get3A_132 = arith.index_cast %add3A_123 : i32 to index
        %get3A_133 = arith.constant 0 : index
        %get3A_134 = tpu.vector_load %arg12[%get3A_132, %get3A_133] {strides = array<i32>} : memref<128x64xf32, #tpu.memory_space<vmem>>, vector<1x16xf32>,
        %get3A_135 = vector.shape_cast %get3A_134 : vector<1x16xf32> to vector<16xf32>
        %swap3A = arith.index_cast %scan3A_117 : i32 to index
        %swap3A_136 = arith.constant 0 : index
        %swap3A_137 = tpu.vector_load %arg16[%swap3A, %swap3A_136] {strides = array<i32>} : memref<16x128xf32, #tpu.memory_space<vmem>>, vector<1x16xf32>,
        %swap3A_138 = vector.shape_cast %swap3A_137 : vector<1x16xf32> to vector<16xf32>
        %swap3A_139 = vector.shape_cast %get3A_135 : vector<16xf32> to vector<1x16xf32>
        tpu.vector_store %arg16[%swap3A, %swap3A_136], %swap3A_139 {strides = array<i32>} : memref<16x128xf32, #tpu.memory_space<vmem>>, vector<1x16xf32>,
        %get3A_140 = arith.index_cast %add3A_131 : i32 to index
        %get3A_141 = arith.constant 0 : index
        %get3A_142 = tpu.vector_load %arg14[%get3A_140, %get3A_141] {strides = array<i32>} : memref<128x64xf32, #tpu.memory_space<vmem>>, vector<1x16xf32>,
        %get3A_143 = vector.shape_cast %get3A_142 : vector<1x16xf32> to vector<16xf32>
        %swap3A_144 = arith.index_cast %scan3A_117 : i32 to index
        %swap3A_145 = arith.constant 64 : index
        %swap3A_146 = tpu.vector_load %arg16[%swap3A_144, %swap3A_145] {strides = array<i32>} : memref<16x128xf32, #tpu.memory_space<vmem>>, vector<1x16xf32>,
        %swap3A_147 = vector.shape_cast %swap3A_146 : vector<1x16xf32> to vector<16xf32>
        %swap3A_148 = vector.shape_cast %get3A_143 : vector<16xf32> to vector<1x16xf32>
        tpu.vector_store %arg16[%swap3A_144, %swap3A_145], %swap3A_148 {strides = array<i32>} : memref<16x128xf32, #tpu.memory_space<vmem>>, vector<1x16xf32>,
        %get3A_149 = arith.index_cast %add3A_123 : i32 to index
        %get3A_150 = arith.constant 16 : index
        %get3A_151 = tpu.vector_load %arg12[%get3A_149, %get3A_150] {strides = array<i32>} : memref<128x64xf32, #tpu.memory_space<vmem>>, vector<1x16xf32>,
        %get3A_152 = vector.shape_cast %get3A_151 : vector<1x16xf32> to vector<16xf32>
        %swap3A_153 = arith.index_cast %scan3A_117 : i32 to index
        %swap3A_154 = arith.constant 16 : index
        %swap3A_155 = tpu.vector_load %arg16[%swap3A_153, %swap3A_154] {strides = array<i32>} : memref<16x128xf32, #tpu.memory_space<vmem>>, vector<1x16xf32>,
        %swap3A_156 = vector.shape_cast %swap3A_155 : vector<1x16xf32> to vector<16xf32>
        %swap3A_157 = vector.shape_cast %get3A_152 : vector<16xf32> to vector<1x16xf32>
        tpu.vector_store %arg16[%swap3A_153, %swap3A_154], %swap3A_157 {strides = array<i32>} : memref<16x128xf32, #tpu.memory_space<vmem>>, vector<1x16xf32>,
        %get3A_158 = arith.index_cast %add3A_131 : i32 to index
        %get3A_159 = arith.constant 16 : index
        %get3A_160 = tpu.vector_load %arg14[%get3A_158, %get3A_159] {strides = array<i32>} : memref<128x64xf32, #tpu.memory_space<vmem>>, vector<1x16xf32>,
        %get3A_161 = vector.shape_cast %get3A_160 : vector<1x16xf32> to vector<16xf32>
        %swap3A_162 = arith.index_cast %scan3A_117 : i32 to index
        %swap3A_163 = arith.constant 80 : index
        %swap3A_164 = tpu.vector_load %arg16[%swap3A_162, %swap3A_163] {strides = array<i32>} : memref<16x128xf32, #tpu.memory_space<vmem>>, vector<1x16xf32>,
        %swap3A_165 = vector.shape_cast %swap3A_164 : vector<1x16xf32> to vector<16xf32>
        %swap3A_166 = vector.shape_cast %get3A_161 : vector<16xf32> to vector<1x16xf32>
        tpu.vector_store %arg16[%swap3A_162, %swap3A_163], %swap3A_166 {strides = array<i32>} : memref<16x128xf32, #tpu.memory_space<vmem>>, vector<1x16xf32>,
        %get3A_167 = arith.index_cast %add3A_123 : i32 to index
        %get3A_168 = arith.constant 32 : index
        %get3A_169 = tpu.vector_load %arg12[%get3A_167, %get3A_168] {strides = array<i32>} : memref<128x64xf32, #tpu.memory_space<vmem>>, vector<1x16xf32>,
        %get3A_170 = vector.shape_cast %get3A_169 : vector<1x16xf32> to vector<16xf32>
        %swap3A_171 = arith.index_cast %scan3A_117 : i32 to index
        %swap3A_172 = arith.constant 32 : index
        %swap3A_173 = tpu.vector_load %arg16[%swap3A_171, %swap3A_172] {strides = array<i32>} : memref<16x128xf32, #tpu.memory_space<vmem>>, vector<1x16xf32>,
        %swap3A_174 = vector.shape_cast %swap3A_173 : vector<1x16xf32> to vector<16xf32>
        %swap3A_175 = vector.shape_cast %get3A_170 : vector<16xf32> to vector<1x16xf32>
        tpu.vector_store %arg16[%swap3A_171, %swap3A_172], %swap3A_175 {strides = array<i32>} : memref<16x128xf32, #tpu.memory_space<vmem>>, vector<1x16xf32>,
        %get3A_176 = arith.index_cast %add3A_131 : i32 to index
        %get3A_177 = arith.constant 32 : index
        %get3A_178 = tpu.vector_load %arg14[%get3A_176, %get3A_177] {strides = array<i32>} : memref<128x64xf32, #tpu.memory_space<vmem>>, vector<1x16xf32>,
        %get3A_179 = vector.shape_cast %get3A_178 : vector<1x16xf32> to vector<16xf32>
        %swap3A_180 = arith.index_cast %scan3A_117 : i32 to index
        %swap3A_181 = arith.constant 96 : index
        %swap3A_182 = tpu.vector_load %arg16[%swap3A_180, %swap3A_181] {strides = array<i32>} : memref<16x128xf32, #tpu.memory_space<vmem>>, vector<1x16xf32>,
        %swap3A_183 = vector.shape_cast %swap3A_182 : vector<1x16xf32> to vector<16xf32>
        %swap3A_184 = vector.shape_cast %get3A_179 : vector<16xf32> to vector<1x16xf32>
        tpu.vector_store %arg16[%swap3A_180, %swap3A_181], %swap3A_184 {strides = array<i32>} : memref<16x128xf32, #tpu.memory_space<vmem>>, vector<1x16xf32>,
        %get3A_185 = arith.index_cast %add3A_123 : i32 to index
        %get3A_186 = arith.constant 48 : index
        %get3A_187 = tpu.vector_load %arg12[%get3A_185, %get3A_186] {strides = array<i32>} : memref<128x64xf32, #tpu.memory_space<vmem>>, vector<1x16xf32>,
        %get3A_188 = vector.shape_cast %get3A_187 : vector<1x16xf32> to vector<16xf32>
        %swap3A_189 = arith.index_cast %scan3A_117 : i32 to index
        %swap3A_190 = arith.constant 48 : index
        %swap3A_191 = tpu.vector_load %arg16[%swap3A_189, %swap3A_190] {strides = array<i32>} : memref<16x128xf32, #tpu.memory_space<vmem>>, vector<1x16xf32>,
        %swap3A_192 = vector.shape_cast %swap3A_191 : vector<1x16xf32> to vector<16xf32>
        %swap3A_193 = vector.shape_cast %get3A_188 : vector<16xf32> to vector<1x16xf32>
        tpu.vector_store %arg16[%swap3A_189, %swap3A_190], %swap3A_193 {strides = array<i32>} : memref<16x128xf32, #tpu.memory_space<vmem>>, vector<1x16xf32>,
        %get3A_194 = arith.index_cast %add3A_131 : i32 to index
        %get3A_195 = arith.constant 48 : index
        %get3A_196 = tpu.vector_load %arg14[%get3A_194, %get3A_195] {strides = array<i32>} : memref<128x64xf32, #tpu.memory_space<vmem>>, vector<1x16xf32>,
        %get3A_197 = vector.shape_cast %get3A_196 : vector<1x16xf32> to vector<16xf32>
        %swap3A_198 = arith.index_cast %scan3A_117 : i32 to index
        %swap3A_199 = arith.constant 112 : index
        %swap3A_200 = tpu.vector_load %arg16[%swap3A_198, %swap3A_199] {strides = array<i32>} : memref<16x128xf32, #tpu.memory_space<vmem>>, vector<1x16xf32>,
        %swap3A_201 = vector.shape_cast %swap3A_200 : vector<1x16xf32> to vector<16xf32>
        %swap3A_202 = vector.shape_cast %get3A_197 : vector<16xf32> to vector<1x16xf32>
        tpu.vector_store %arg16[%swap3A_198, %swap3A_199], %swap3A_202 {strides = array<i32>} : memref<16x128xf32, #tpu.memory_space<vmem>>, vector<1x16xf32>,
      }
      %scan3A_106 = arith.constant 16 : i32
      %add3A_107 = arith.constant 1 : i32
      %add3A_108 = arith.addi %mul3A_34, %add3A_107 : i32
      %mul3A_109 = arith.constant 16 : i32
      %mul3A_110 = arith.muli %add3A_108, %mul3A_109 : i32
      %add3A_111 = arith.addi %mul3A_2, %mul3A_110 : i32
      %multiple_of3A_112 = tpu.assume_multiple %add3A_111, 8 : i32
      %dma_start3A_113 = arith.constant 0 : i32
      %dma_start3A_114 = tpu.memref_slice %arg6[%multiple_of3A_112, %dma_start3A_113] : memref<16384x128xf32, #tpu.memory_space<hbm>> -> memref<16x128xf32, #tpu.memory_space<hbm>>
      %dma_start3A_115 = arith.constant 0 : i32
      %dma_start3A_116 = tpu.memref_slice %arg6[%multiple_of3A_112, %dma_start3A_115] : memref<16384x128xf32, #tpu.memory_space<hbm>> -> memref<16x128xf32, #tpu.memory_space<hbm>>
      tpu.enqueue_dma source(%arg16 : memref<16x128xf32, #tpu.memory_space<vmem>>) target(%dma_start3A_116 : memref<16x128xf32, #tpu.memory_space<hbm>>) target_semaphore(%arg20 : memref<!tpu.dma_semaphore, #tpu.memory_space<semaphore_mem>>)
    }
    %scan3A_19 = arith.constant 16 : i32
    %add3A_20 = arith.constant 0 : i32
    %add3A_21 = arith.addi %mul3A_2, %add3A_20 : i32
    %multiple_of3A = tpu.assume_multiple %add3A_21, 8 : i32
    %dma_wait3A = arith.constant 0 : i32
    %dma_wait3A_22 = tpu.memref_slice %arg6[%multiple_of3A, %dma_wait3A] : memref<16384x128xf32, #tpu.memory_space<hbm>> -> memref<16x128xf32, #tpu.memory_space<hbm>>
    %dma_wait3A_23 = arith.constant 0 : i32
    %dma_wait3A_24 = tpu.memref_slice %arg6[%multiple_of3A, %dma_wait3A_23] : memref<16384x128xf32, #tpu.memory_space<hbm>> -> memref<16x128xf32, #tpu.memory_space<hbm>>
    tpu.wait_dma2 semaphore(%arg19 : memref<!tpu.dma_semaphore, #tpu.memory_space<semaphore_mem>>) src(%arg15 : memref<16x128xf32, #tpu.memory_space<vmem>>) dst(%dma_wait3A_24 : memref<16x128xf32, #tpu.memory_space<hbm>>)
    %add3A_25 = arith.constant 0 : i32
    %add3A_26 = arith.addi %mul3A_2, %add3A_25 : i32
    %multiple_of3A_27 = tpu.assume_multiple %add3A_26, 8 : i32
    %dma_wait3A_28 = arith.constant 0 : i32
    %dma_wait3A_29 = tpu.memref_slice %arg6[%multiple_of3A_27, %dma_wait3A_28] : memref<16384x128xf32, #tpu.memory_space<hbm>> -> memref<16x128xf32, #tpu.memory_space<hbm>>
    %dma_wait3A_30 = arith.constant 0 : i32
    %dma_wait3A_31 = tpu.memref_slice %arg6[%multiple_of3A_27, %dma_wait3A_30] : memref<16384x128xf32, #tpu.memory_space<hbm>> -> memref<16x128xf32, #tpu.memory_space<hbm>>
    tpu.wait_dma2 semaphore(%arg20 : memref<!tpu.dma_semaphore, #tpu.memory_space<semaphore_mem>>) src(%arg16 : memref<16x128xf32, #tpu.memory_space<vmem>>) dst(%dma_wait3A_31 : memref<16x128xf32, #tpu.memory_space<hbm>>)
    return
  }
}

</mosaic_0001>

<sc_bundles>
// kernel: kernel.3.cloned.1.call-start
scs
__scs_entry_jumppad:
0x0: {  	(pc) =	sbr.rel $0x88, $3  }
0x1: {  	(tag) =	ssettag $0x0;
	lr =	simm.s32 $0x1  }
0x2: {  	[smem:$0x3F9D] =	sst lr;
	_ =	strace $0xD0000000  }
0x3: {  	_ = 	snop  }
0x4: {  	_ = 	snop  }
0x5: {  	_ = 	snop  }
0x6: {  	_ = 	snop  }
0x7: {  	_ = 	snop  }
__scs_overlays_trampoline_lowered:
0x8: {  	[smem:$0x3FAC] =	sst s0  }
0x9: {  	[smem:$0x3FAD] =	sst s1  }
0xa: {  	[smem:$0x3FAE] =	sst s2  }
0xb: {  	[smem:$0x3FAF] =	sst s3  }
0xc: {  	[smem:$0x3FB0] =	sst s4  }
0xd: {  	[smem:$0x3FB1] =	sst s5  }
0xe: {  	[smem:$0x3FB2] =	sst s6  }
0xf: {  	[smem:$0x3FB3] =	sst s7  }
0x10: {  	[smem:$0x3FB4] =	sst s8  }
0x11: {  	[smem:$0x3FB5] =	sst s9;
	s0 =	simm.s32 @!p0 $0x0  }
0x12: {  	s1 =	sld [smem:$0x3F9B];
	s0 =	simm.s32 @p0 $0x1  }
0x13: {  	[smem:$0x3FB6] =	sst s0;
	s0 =	simm.s32 @!p1 $0x0  }
0x14: {  	s2 =	sld [smem:$0x3F9A];
	s0 =	simm.s32 @p1 $0x1  }
0x15: {  	[smem:$0x3FB7] =	sst s0;
	s0 =	simm.s32 @!p2 $0x0  }
0x16: {  	s3 =	sld [smem:$0x3FDB];
	s0 =	simm.s32 @p2 $0x1  }
0x17: {  	s4 =	simm.s32 $0x1BF5;
	[smem:$0x3FB9] =	sst s0  }
0x18: {  	s0 =	sld [smem:$0x3F9C];
	_ =	swait.ge [sflag:s4], $0x0  }
0x19: {  	s7 =	sld [smem:$0x3F9D]  }
0x1a: {  	s8 =	sadd.s32 $0xFFFFE003, lr  }
0x1b: {  	s9 =	sadd.s32 $0xFFFFFEF7, lr;
	s5 =	simm.s32 $0xFFFFFFFF;
	p2 =	slt.u32 s8, $0xFFFFF086  }
0x1c: {  	p1 =	slt.u32 s9, $0xF7A;
	s5 =	simm.s32 @!p2 $0x0  }
0x1d: {  	s5 =	simm.s32 @p1 $0x1;
	p0 =	seq.s32 s7, s2  }
0x1e: {  	s7 =	smul.u32 @!p0 $0xF7A, s2;
	p2 =	seq.s32 @!p0 s5, $0x0  }
0x1f: {  	s9 =	smul.u32 $0xF7A, s1;
	s8 =	simm.s32 @!p0 $0x1BF5;
	p2 =	por !p2, p0  }
0x20: {  	[sflag:s8] =	ssyncset.s32 @!p0 $0xFFFFF086;
	s6 =	sadd.s32 @!p0 s3, s7;
	s7 =	simm.s32 @!p0 $0x108  }
0x21: {  	s3 =	sadd.s32 s3, s9;
	s6 =	sadd.s32 @!p0 $0x88, s6;
	s7 =	simm.s32 @p2 $0x1082  }
0x22: {  	[simem:s7], [sflag:s8] =	dma.local @!p0 [hbm:s6], $0xF7A  }
0x23: {  	s9 =	sor.u32 $0xD0000000, s2;
	s6 =	simm.s32 $0x108;
	_ =	swait.ge @!p0 [sflag:s8], $0x0  }
0x24: {  	s3 =	sadd.s32 $0x88, s3;
	s6 =	simm.s32 @!p1 $0x1082;
	[sflag:s4] =	ssyncset.s32 $0xFFFFF086  }
0x25: {  	[simem:s6], [sflag:s4] =	dma.local [hbm:s3], $0xF7A  }
0x26: {  	[smem:$0x3F9D] =	sst s1;
	(tag) =	ssettag s2;
	_ =	strace s9  }
0x27: {  	s1 =	sld [smem:$0x3FAD]  }
0x28: {  	s2 =	sld [smem:$0x3FAE]  }
0x29: {  	s4 =	sld [smem:$0x3FB0]  }
0x2a: {  	p0 =	seq.s32 s5, $0x0;
	s5 =	sld [smem:$0x3FB1]  }
0x2b: {  	s6 =	sld [smem:$0x3FB2]  }
0x2c: {  	s7 =	sld [smem:$0x3FB3]  }
0x2d: {  	s3 =	simm.s32 $0x108;
	s8 =	sld [smem:$0x3FB4]  }
0x2e: {  	s3 =	simm.s32 @!p0 $0x1082;
	s9 =	sld [smem:$0x3FB5]  }
0x2f: {  	lr =	sadd.s32 s0, s3;
	s0 =	sld [smem:$0x3FAC]  }
0x30: {  	s3 =	sld [smem:$0x3FAF]  }
0x31: {  	[smem:$0x3FB8] =	sst s10  }
0x32: {  	s10 =	sld [smem:$0x3FB6];
	_ =	sdelay $0x3  }
0x33: {  	p0 =	seq.s32 s10, $0x1;
	s10 =	sld [smem:$0x3FB8];
	_ =	sdelay $0x3  }
0x34: {  	[smem:$0x3FB8] =	sst s10  }
0x35: {  	s10 =	sld [smem:$0x3FB7];
	_ =	sdelay $0x3  }
0x36: {  	p1 =	seq.s32 s10, $0x1;
	s10 =	sld [smem:$0x3FB8];
	_ =	sdelay $0x3  }
0x37: {  	[smem:$0x3FB8] =	sst s10  }
0x38: {  	s10 =	sld [smem:$0x3FB9]  }
0x39: {  	_ = 	snop;
	(pc) =	sbr.ind lr, $3  }
0x3a: {  	_ = 	snop  }
0x3b: {  	_ = 	snop  }
0x3c: {  	p2 =	seq.s32 s10, $0x1;
	s10 =	sld [smem:$0x3FB8]  }
0x3d: {  	_ =	shalt  }
0x3e: {  	_ =	shalt  }
0x3f: {  	_ =	shalt  }
0x40: {  	_ =	shalt  }
0x41: {  	_ =	shalt  }
0x42: {  	_ =	shalt  }
0x43: {  	_ =	shalt  }
0x44: {  	_ =	shalt  }
0x45: {  	_ =	shalt  }
0x46: {  	_ =	shalt  }
0x47: {  	_ =	shalt  }
0x48: {  	_ =	shalt  }
0x49: {  	_ =	shalt  }
0x4a: {  	_ =	shalt  }
0x4b: {  	_ =	shalt  }
0x4c: {  	_ =	shalt  }
0x4d: {  	_ =	shalt  }
0x4e: {  	_ =	shalt  }
0x4f: {  	_ =	shalt  }
0x50: {  	_ =	shalt  }
0x51: {  	_ =	shalt  }
0x52: {  	_ =	shalt  }
0x53: {  	_ =	shalt  }
0x54: {  	_ =	shalt  }
0x55: {  	_ =	shalt  }
0x56: {  	_ =	shalt  }
0x57: {  	_ =	shalt  }
0x58: {  	_ =	shalt  }
0x59: {  	_ =	shalt  }
0x5a: {  	_ =	shalt  }
0x5b: {  	_ =	shalt  }
0x5c: {  	_ =	shalt  }
0x5d: {  	_ =	shalt  }
0x5e: {  	_ =	shalt  }
0x5f: {  	_ =	shalt  }
0x60: {  	_ =	shalt  }
0x61: {  	_ =	shalt  }
0x62: {  	_ =	shalt  }
0x63: {  	_ =	shalt  }
0x64: {  	_ =	shalt  }
0x65: {  	_ =	shalt  }
0x66: {  	_ =	shalt  }
0x67: {  	_ =	shalt  }
0x68: {  	_ =	shalt  }
0x69: {  	_ =	shalt  }
0x6a: {  	_ =	shalt  }
0x6b: {  	_ =	shalt  }
0x6c: {  	_ =	shalt  }
0x6d: {  	_ =	shalt  }
0x6e: {  	_ =	shalt  }
0x6f: {  	_ =	shalt  }
0x70: {  	_ =	shalt  }
0x71: {  	_ =	shalt  }
0x72: {  	_ =	shalt  }
0x73: {  	_ =	shalt  }
0x74: {  	_ =	shalt  }
0x75: {  	_ =	shalt  }
0x76: {  	_ =	shalt  }
0x77: {  	_ =	shalt  }
0x78: {  	_ =	shalt  }
0x79: {  	_ =	shalt  }
0x7a: {  	_ =	shalt  }
0x7b: {  	_ =	shalt  }
0x7c: {  	_ =	shalt  }
0x7d: {  	_ =	shalt  }
0x7e: {  	_ =	shalt  }
0x7f: {  	_ =	shalt  }
0x80: {  	_ =	shalt  }
0x81: {  	_ =	shalt  }
0x82: {  	_ =	shalt  }
0x83: {  	_ =	shalt  }
0x84: {  	_ =	shalt  }
0x85: {  	_ =	shalt  }
0x86: {  	_ =	shalt  }
0x87: {  	_ =	shalt  }
.Lfunc_end0:
.L_simem_size_0:
called_computation_lowered:
.L_overlay_start_0:
0x88: {  	s2 =	sld [smem:$0x3FD9]  }
0x89: {  	s3 =	sld [smem:$0x3FFE];
	_ =	sdelay $0x1  }
0x8a: {  	s1 =	srdreg.scid  }
0x8b: {  	s0 =	sand.u32 $0x1, s1  }
0x8c: {  	s17 =	sshll.u32 s0, $0xA;
	s2 =	sadd.s32 s3, s2  }
0x8d: {  	s2 =	sadd.s32 s2, s17  }
0x8e: {  	[smem:$0x3FC4] =	sst s2  }
0x8f: {  	_ = 	snop  }
0x90: {  	s2 =	sld [smem:$0x3FC9]  }
0x91: {  	s18 =	sld [smem:$0x3FC8]  }
0x92: {  	s4 =	sld [smem:$0x3FD0];
	(tm) =	ssettm $0x1  }
0x93: {  	s5 =	sld [smem:$0x3FFB];
	_ =	sdelay $0x3  }
0x94: {  	_ =	strace s5  }
0x95: {  	s5 =	sld [smem:$0x3FFC];
	_ =	sdelay $0x3  }
0x96: {  	_ =	strace s5  }
0x97: {  	s5 =	sld [smem:$0x3FFD];
	_ =	sdelay $0x3  }
0x98: {  	_ =	strace s5  }
0x99: {  	_ =	strace $0x8FFFFFFF  }
0x9a: {  	s19 =	sld [smem:$0x3FDB];
	_ =	sdelay $0x1  }
0x9b: {  	s6 =	simm.s32 $_scs_section_size  }
0x9c: {  	s7 =	simm.s32 $_size__tile_overlayer_lowered;
	s8 =	simm.s32 $_tile_overlayer_lowered  }
0x9d: {  	s22 =	simm.s32 $0x1BFF;
	s21 =	sshll.u32 s8, $0x1;
	s5 =	sadd.s32 s6, s19  }
0x9e: {  	s9 =	simm.s32 $0x0;
	s20 =	sshll.u32 s7, $0x1;
	s7 =	sadd.s32 s21, s5  }
0x9f: {  	[timem:s9], [sflag:s22] =	dma.local [hbm:s7], s20  }
0xa0: {  	_ =	swait.ge [sflag:s22], s20  }
0xa1: {  	s6 =	ssub.s32 $0x0, s20;
	[sflag:s22] =	ssyncset.done $0x0  }
0xa2: {  	[sflag:s22] =	ssyncadd.s32 s6;
	_ =	sdelay $0x1  }
0xa3: {  	s23 =	simm.s32 $0x1B8B  }
0xa4: {  	_ =	swait.ge [sflag:s23], $0x1  }
0xa5: {  	[sflag:s23] =	ssyncset.done $0x0  }
0xa6: {  	s25 =	simm.s32 $0x1B8E;
	s24 =	sld [smem:$0x3FFE];
	[sflag:s23] =	ssyncadd.s32 $0xFFFFFFFF  }
0xa7: {  	s26 =	simm.s32 $execute0_lowered;
	[smem:$0x3FD2] =	sst s25  }
0xa8: {  	s7 =	sshll.u32 s26, $0x1;
	_ =	strace $0x80000046;
	[dreg:$0x1] =	wrdreg $0xFFFFFFFF  }
0xa9: {  	s28 =	simm.s32 $_size_execute0_lowered;
	s5 =	sadd.s32 s5, s7;
	[dreg:$0x0] =	wrdreg $0x0  }
0xaa: {  	s7 =	sshll.u32 s28, $0x1;
	[dreg:$0x2] =	wrdreg s5  }
0xab: {  	[dreg:$0x3] =	wrdreg s7  }
0xac: {  	[dreg:$0x4] =	wrdreg $0xC0  }
0xad: {  	_ =	task [dreg:s9], $0x5FFFF  }
0xae: {  	[dreg:$0x1] =	wrdreg $0xFFFFFFFF  }
0xaf: {  	[dreg:$0x0] =	wrdreg $0x60  }
0xb0: {  	[dreg:$0x2] =	wrdreg s2  }
0xb1: {  	[dreg:$0x3] =	wrdreg s18  }
0xb2: {  	[dreg:$0x4] =	wrdreg s24  }
0xb3: {  	[dreg:$0x5] =	wrdreg s4  }
0xb4: {  	[dreg:$0x6] =	wrdreg $0x9  }
0xb5: {  	_ =	task.clear_ibuf [dreg:s9], $0x7FFFF;
	_ =	strace $0x90000046  }
0xb6: {  	s29 =	simm.s32 $0x9;
	_ =	strace $0x80000048  }
0xb7: {  	_ =	swait.ge [sflag:s29], $0x1  }
0xb8: {  	[sflag:s29] =	ssyncadd.s32 $0xFFFFFFFF  }
0xb9: {  	_ =	strace $0x90000048  }
0xba: {  	_ =	sfence  }
0xbb: {  	s30 =	sld [smem:$0x0];
	_ =	sdelay $0x2  }
0xbc: {  	s31 =	sshll.u32 s1, $0xD;
	s1 =	sshrl.u32 s1, $0x2  }
0xbd: {  	s3 =	sand.u32 $0x4000, s31;
	s1 =	sadd.s32 s1, s30  }
0xbe: {  	s0 =	sor.u32 s3, s0;
	s1 =	sshll.u32 s1, $0x11  }
0xbf: {  	s0 =	sor.u32 s1, s0  }
0xc0: {  	s0 =	sadd.s32 $0x8F2B, s0  }
0xc1: {  	[sflag:s0] =	ssyncadd.remote.s32 $0x1  }
0xc2: {  	_ =	sfence.sel $0xFFFF  }
0xc3: {  	[dreg:$0x0] =	wrdreg $0xFFFFFFFF;
	(pc) =	sbr.abs _section_cstart, $3  }
0xc4: {  	[dreg:$0x1] =	wrdreg $0xFFFFFFFF  }
0xc5: {  	_ =	task.clear_ibuf [dreg:s9], $0x2FFFF;
	_ =	strace $0x9FFFFFFF  }
0xc6: {  	(tm) =	ssettm $0x7FFFFFFF  }
0xc7: {  	_ =	shalt  }
tec
execute0_lowered:
.L_overlay_start_1:
0x0: {  	(tag) =	ssettag $0x1  }
0x1: {  	s7 =	rddreg [dreg:$0x0]  }
0x2: {  	s8 =	rddreg [dreg:$0x1]  }
0x3: {  	s6 =	rddreg [dreg:$0x2]  }
0x4: {  	s1 =	rddreg [dreg:$0x3]  }
0x5: {  	s0 =	rddreg [dreg:$0x4]  }
0x6: {  	s3 =	simm.s32 $0x0;
	s4 =	srdreg.scid;
	s2 =	stileid.u32  }
0x7: {  	s12 =	simm.s32 $0x1;
	s13 =	simm.s32 $0x10400;
	s14 =	simm.s32 $0x2  }
0x8: {  	s15 =	simm.s32 $0x10C00;
	s16 =	simm.s32 $0x3;
	s17 =	simm.s32 $0x4  }
0x9: {  	s18 =	simm.s32 $0x0;
	[smem:$0x7FF] =	sst s3;
	s4 =	sand.u32 $0x1, s4  }
0xa: {  	s5 =	sshll.u32 s2, $0xA;
	_ =	strace $0x80000047;
	s10 =	sshll.u32 s4, $0x9  }
0xb: {  	s9 =	ssub.s32 $0x2, s4;
	s4 =	sadd.s32 $0x186E00, s6;
	s5 =	sor.u32 s10, s5  }
0xc: {  	s6 =	sadd.s32 $0x400, s6;
	s11 =	sshrl.u32 s9, $0x1;
	s10 =	sshrl.u32 s5, $0x3  }
0xd: {  	s9 =	ssub.s32 s9, s11;
	s11 =	simm.s32 $0x200;
	s7 =	sadd.s32 s7, s10  }
0xe: {  	s8 =	sadd.s32 s8, s10;
	s9 =	smax.u32 s9, $0x1;
	s10 =	simm.s32 $0x5  }
.LBB2_1:
0xf: {  	[tilespmem:s3], [sflag:$0x5] =	stream.linear.gather [hbm4b:s7+s3], $0x200, $0x38;
	[tilespmem:$0x11400] =	vst v63  }
0x10: {  	_ =	swait.ge [sflag:s10], $0x200  }
0x11: {  	[sflag:s10] =	ssyncset.done $0x0  }
0x12: {  	[sflag:s10] =	ssyncadd.s32 $0xFFFFFE00  }
0x13: {  	[tilespmem:s11], [sflag:$0x5] =	stream.linear.gather [hbm4b:s8+s3], $0x200, $0x38;
	[tilespmem:$0x11400] =	vst v63  }
0x14: {  	_ =	swait.ge [sflag:s10], $0x200  }
0x15: {  	[sflag:s10] =	ssyncset.done $0x0  }
0x16: {  	s19 =	simm.s32 $0x0;
	[sflag:s10] =	ssyncadd.s32 $0xFFFFFE00  }
0x17: {  	v2 =	vld [tilespmem:s19+$0x0]  }
0x18: {  	v3 =	vld [tilespmem:s19+$0x200];
	_ =	sdelay $0x3  }
0x19: {  	(v2sf) =	vpush v2, $0x0  }
0x1a: {  	(v2sf) =	vpush v3, $0x0;
	_ =	sdelay $0x1  }
0x1b: {  	(v2sf) =	vpush v2, $0x1  }
0x1c: {  	(v2sf) =	vpush v3, $0x1  }
0x1d: {  	(v2sf) =	vpush v2, $0x2  }
0x1e: {  	(v2sf) =	vpush v3, $0x2  }
0x1f: {  	(v2sf) =	vpush v2, $0x3  }
0x20: {  	(v2sf) =	vpush v3, $0x3  }
0x21: {  	(v2sf) =	vpush v2, $0x4  }
0x22: {  	(v2sf) =	vpush v3, $0x4  }
0x23: {  	(v2sf) =	vpush v2, $0x5  }
0x24: {  	(v2sf) =	vpush v3, $0x5  }
0x25: {  	(v2sf) =	vpush v2, $0x6  }
0x26: {  	(v2sf) =	vpush v3, $0x6  }
0x27: {  	(v2sf) =	vpush v2, $0x7;
	s20 =	spop (v2sf)  }
0x28: {  	(v2sf) =	vpush v3, $0x7;
	[smem:s19] =	sst s20;
	s31 =	spop (v2sf)  }
0x29: {  	(v2sf) =	vpush v2, $0x8;
	[smem:$0x200] =	sst s31  }
0x2a: {  	s20 =	spop (v2sf)  }
0x2b: {  	(v2sf) =	vpush v3, $0x8;
	[smem:$0x1] =	sst s20  }
0x2c: {  	s20 =	spop (v2sf)  }
0x2d: {  	(v2sf) =	vpush v2, $0x9;
	[smem:$0x201] =	sst s20  }
0x2e: {  	s20 =	spop (v2sf)  }
0x2f: {  	(v2sf) =	vpush v3, $0x9;
	[smem:$0x2] =	sst s20  }
0x30: {  	s20 =	spop (v2sf)  }
0x31: {  	(v2sf) =	vpush v2, $0xA;
	[smem:$0x202] =	sst s20  }
0x32: {  	s20 =	spop (v2sf)  }
0x33: {  	(v2sf) =	vpush v3, $0xA;
	[smem:$0x3] =	sst s20  }
0x34: {  	s20 =	spop (v2sf)  }
0x35: {  	(v2sf) =	vpush v2, $0xB;
	[smem:$0x203] =	sst s20  }
0x36: {  	s20 =	spop (v2sf)  }
0x37: {  	(v2sf) =	vpush v3, $0xB;
	[smem:$0x4] =	sst s20  }
0x38: {  	s20 =	spop (v2sf)  }
0x39: {  	(v2sf) =	vpush v2, $0xC;
	[smem:$0x204] =	sst s20  }
0x3a: {  	s20 =	spop (v2sf)  }
0x3b: {  	(v2sf) =	vpush v3, $0xC;
	[smem:$0x5] =	sst s20  }
0x3c: {  	s21 =	spop (v2sf)  }
0x3d: {  	(v2sf) =	vpush v2, $0xD;
	[smem:$0x205] =	sst s21  }
0x3e: {  	s20 =	simm.s32 $0x10;
	s21 =	spop (v2sf)  }
0x3f: {  	(v2sf) =	vpush v3, $0xD;
	v0 =	vld [tilespmem:s20+$0x0];
	[smem:$0x6] =	sst s21  }
0x40: {  	s21 =	spop (v2sf)  }
0x41: {  	(v2sf) =	vpush v2, $0xE;
	v1 =	vld [tilespmem:s20+$0x200];
	[smem:$0x206] =	sst s21  }
0x42: {  	s21 =	spop (v2sf)  }
0x43: {  	(v2sf) =	vpush v3, $0xE;
	[smem:$0x7] =	sst s21  }
0x44: {  	s21 =	spop (v2sf)  }
0x45: {  	(v2sf) =	vpush v2, $0xF;
	[smem:$0x207] =	sst s21  }
0x46: {  	s21 =	spop (v2sf)  }
0x47: {  	(v2sf) =	vpush v3, $0xF;
	[smem:$0x8] =	sst s21  }
0x48: {  	s21 =	spop (v2sf)  }
0x49: {  	(v2sf) =	vpush v0, $0x0;
	[smem:$0x208] =	sst s21  }
0x4a: {  	s21 =	spop (v2sf)  }
0x4b: {  	(v2sf) =	vpush v1, $0x0;
	[smem:$0x9] =	sst s21  }
0x4c: {  	s21 =	spop (v2sf)  }
0x4d: {  	(v2sf) =	vpush v0, $0x1;
	[smem:$0x209] =	sst s21  }
0x4e: {  	s21 =	spop (v2sf)  }
0x4f: {  	(v2sf) =	vpush v1, $0x1;
	[smem:$0xA] =	sst s21  }
0x50: {  	s21 =	spop (v2sf)  }
0x51: {  	(v2sf) =	vpush v0, $0x2;
	[smem:$0x20A] =	sst s21  }
0x52: {  	s21 =	spop (v2sf)  }
0x53: {  	(v2sf) =	vpush v1, $0x2;
	[smem:$0xB] =	sst s21  }
0x54: {  	s21 =	spop (v2sf)  }
0x55: {  	(v2sf) =	vpush v0, $0x3;
	[smem:$0x20B] =	sst s21  }
0x56: {  	s21 =	spop (v2sf)  }
0x57: {  	(v2sf) =	vpush v1, $0x3;
	[smem:$0xC] =	sst s21  }
0x58: {  	s21 =	spop (v2sf)  }
0x59: {  	(v2sf) =	vpush v0, $0x4;
	[smem:$0x20C] =	sst s21  }
0x5a: {  	s21 =	spop (v2sf)  }
0x5b: {  	(v2sf) =	vpush v1, $0x4;
	[smem:$0xD] =	sst s21  }
0x5c: {  	s21 =	spop (v2sf)  }
0x5d: {  	(v2sf) =	vpush v0, $0x5;
	[smem:$0x20D] =	sst s21  }
0x5e: {  	s21 =	spop (v2sf)  }
0x5f: {  	(v2sf) =	vpush v1, $0x5;
	[smem:$0xE] =	sst s21  }
0x60: {  	s21 =	spop (v2sf)  }
0x61: {  	(v2sf) =	vpush v0, $0x6;
	[smem:$0x20E] =	sst s21  }
0x62: {  	s21 =	spop (v2sf)  }
0x63: {  	(v2sf) =	vpush v1, $0x6;
	[smem:$0xF] =	sst s21  }
0x64: {  	s21 =	simm.s32 $0x80;
	s22 =	spop (v2sf)  }
.LBB2_2:
0x65: {  	p0 =	sne.s32 s21, $0x7C0;
	[smem:s19+$0x20F] =	sst s22  }
0x66: {  	(v2sf) =	vpush v0, $0x7;
	s22 =	smov.u32 s21;
	s21 =	sadd.s32 $0x40, s21;
	s19 =	smov.u32 s20  }
0x67: {  	s20 =	spop (v2sf);
	(v2sf) =	vpush v1, $0x7  }
0x68: {  	[smem:s19] =	sst s20;
	s20 =	spop (v2sf);
	(v2sf) =	vpush v0, $0x8  }
0x69: {  	[smem:s19+$0x200] =	sst s20;
	s20 =	spop (v2sf);
	(v2sf) =	vpush v1, $0x8  }
0x6a: {  	[smem:s19+$0x1] =	sst s20;
	s20 =	spop (v2sf);
	(v2sf) =	vpush v0, $0x9  }
0x6b: {  	[smem:s19+$0x201] =	sst s20;
	s20 =	spop (v2sf);
	(v2sf) =	vpush v1, $0x9  }
0x6c: {  	[smem:s19+$0x2] =	sst s20;
	s20 =	spop (v2sf);
	(v2sf) =	vpush v0, $0xA  }
0x6d: {  	[smem:s19+$0x202] =	sst s20;
	s20 =	spop (v2sf);
	(v2sf) =	vpush v1, $0xA  }
0x6e: {  	[smem:s19+$0x3] =	sst s20;
	s20 =	spop (v2sf);
	(v2sf) =	vpush v0, $0xB  }
0x6f: {  	[smem:s19+$0x203] =	sst s20;
	s20 =	spop (v2sf);
	(v2sf) =	vpush v1, $0xB  }
0x70: {  	[smem:s19+$0x4] =	sst s20;
	s20 =	spop (v2sf);
	(v2sf) =	vpush v0, $0xC  }
0x71: {  	[smem:s19+$0x204] =	sst s20;
	s20 =	spop (v2sf);
	(v2sf) =	vpush v1, $0xC  }
0x72: {  	[smem:s19+$0x5] =	sst s20;
	s23 =	spop (v2sf);
	(v2sf) =	vpush v0, $0xD  }
0x73: {  	s20 =	sshra.s32 s22, $0x2;
	[smem:s19+$0x205] =	sst s23;
	s22 =	spop (v2sf);
	(v2sf) =	vpush v1, $0xD  }
0x74: {  	v2 =	vld [tilespmem:s20+$0x0];
	[smem:s19+$0x6] =	sst s22;
	s22 =	spop (v2sf);
	(v2sf) =	vpush v0, $0xE  }
0x75: {  	v3 =	vld [tilespmem:s20+$0x200];
	[smem:s19+$0x206] =	sst s22;
	s22 =	spop (v2sf);
	(v2sf) =	vpush v1, $0xE  }
0x76: {  	[smem:s19+$0x7] =	sst s22;
	s22 =	spop (v2sf);
	(v2sf) =	vpush v0, $0xF  }
0x77: {  	[smem:s19+$0x207] =	sst s22;
	s22 =	spop (v2sf);
	(v2sf) =	vpush v1, $0xF  }
0x78: {  	[smem:s19+$0x8] =	sst s22;
	s22 =	spop (v2sf)  }
0x79: {  	(v2sf) =	vpush v2, $0x0;
	[smem:s19+$0x208] =	sst s22;
	s22 =	spop (v2sf);
	v0 =	vmov v2  }
0x7a: {  	(v2sf) =	vpush v3, $0x0;
	[smem:s19+$0x9] =	sst s22;
	s22 =	spop (v2sf);
	v1 =	vmov v3  }
0x7b: {  	(v2sf) =	vpush v0, $0x1;
	[smem:s19+$0x209] =	sst s22;
	s22 =	spop (v2sf)  }
0x7c: {  	(v2sf) =	vpush v1, $0x1;
	[smem:s19+$0xA] =	sst s22;
	s22 =	spop (v2sf)  }
0x7d: {  	(v2sf) =	vpush v0, $0x2;
	[smem:s19+$0x20A] =	sst s22;
	s22 =	spop (v2sf)  }
0x7e: {  	(v2sf) =	vpush v1, $0x2;
	[smem:s19+$0xB] =	sst s22;
	s22 =	spop (v2sf)  }
0x7f: {  	(v2sf) =	vpush v0, $0x3;
	[smem:s19+$0x20B] =	sst s22;
	s22 =	spop (v2sf)  }
0x80: {  	(v2sf) =	vpush v1, $0x3;
	[smem:s19+$0xC] =	sst s22;
	s22 =	spop (v2sf)  }
0x81: {  	(v2sf) =	vpush v0, $0x4;
	[smem:s19+$0x20C] =	sst s22;
	s22 =	spop (v2sf)  }
0x82: {  	[smem:s19+$0xD] =	sst s22  }
.Ltmp0:
0x83: {  	(v2sf) =	vpush v1, $0x4;
	s22 =	spop (v2sf);
	(pc) =	sbr.rel @p0 .LBB2_2-.Ltmp0, $4  }
0x84: {  	(v2sf) =	vpush v0, $0x5;
	[smem:s19+$0x20D] =	sst s22;
	s22 =	spop (v2sf)  }
0x85: {  	(v2sf) =	vpush v1, $0x5;
	[smem:s19+$0xE] =	sst s22;
	s22 =	spop (v2sf)  }
0x86: {  	(v2sf) =	vpush v0, $0x6;
	[smem:s19+$0x20E] =	sst s22;
	s22 =	spop (v2sf)  }
0x87: {  	(v2sf) =	vpush v1, $0x6;
	[smem:s19+$0xF] =	sst s22;
	s22 =	spop (v2sf)  }
0x88: {  	(v2sf) =	vpush v0, $0x7  }
0x89: {  	[smem:s19+$0x20F] =	sst s22;
	s29 =	spop (v2sf);
	(v2sf) =	vpush v1, $0x7  }
0x8a: {  	[smem:s20] =	sst s29;
	s30 =	spop (v2sf);
	(v2sf) =	vpush v0, $0x8  }
0x8b: {  	[smem:s20+$0x200] =	sst s30;
	s31 =	spop (v2sf);
	(v2sf) =	vpush v1, $0x8  }
0x8c: {  	[smem:s20+$0x1] =	sst s31;
	s21 =	spop (v2sf);
	(v2sf) =	vpush v0, $0x9  }
0x8d: {  	[smem:s20+$0x201] =	sst s21;
	s22 =	spop (v2sf);
	(v2sf) =	vpush v1, $0x9  }
0x8e: {  	[smem:s20+$0x2] =	sst s22;
	s23 =	spop (v2sf);
	(v2sf) =	vpush v0, $0xA  }
0x8f: {  	[smem:s20+$0x202] =	sst s23;
	s24 =	spop (v2sf);
	(v2sf) =	vpush v1, $0xA  }
0x90: {  	[smem:s20+$0x3] =	sst s24;
	s25 =	spop (v2sf);
	(v2sf) =	vpush v0, $0xB  }
0x91: {  	[smem:s20+$0x203] =	sst s25;
	s26 =	spop (v2sf);
	(v2sf) =	vpush v1, $0xB  }
0x92: {  	[smem:s20+$0x4] =	sst s26;
	s28 =	spop (v2sf);
	(v2sf) =	vpush v0, $0xC  }
0x93: {  	[smem:s20+$0x204] =	sst s28;
	s29 =	spop (v2sf);
	(v2sf) =	vpush v1, $0xC  }
0x94: {  	[smem:s20+$0x5] =	sst s29;
	s30 =	spop (v2sf);
	(v2sf) =	vpush v0, $0xD  }
0x95: {  	[smem:s20+$0x205] =	sst s30;
	s31 =	spop (v2sf);
	(v2sf) =	vpush v1, $0xD  }
0x96: {  	[smem:s20+$0x6] =	sst s31;
	s21 =	spop (v2sf);
	(v2sf) =	vpush v0, $0xE  }
0x97: {  	[smem:s20+$0x206] =	sst s21;
	s22 =	spop (v2sf);
	(v2sf) =	vpush v1, $0xE  }
0x98: {  	[smem:s20+$0x7] =	sst s22;
	s23 =	spop (v2sf);
	(v2sf) =	vpush v0, $0xF  }
0x99: {  	[smem:s20+$0x207] =	sst s23;
	s24 =	spop (v2sf);
	(v2sf) =	vpush v1, $0xF  }
0x9a: {  	[smem:s20+$0x8] =	sst s24;
	s25 =	spop (v2sf)  }
0x9b: {  	[smem:s20+$0x208] =	sst s25;
	s26 =	spop (v2sf)  }
0x9c: {  	[smem:s20+$0x9] =	sst s26;
	s28 =	spop (v2sf)  }
0x9d: {  	[smem:s20+$0x209] =	sst s28;
	s29 =	spop (v2sf)  }
0x9e: {  	[smem:s20+$0xA] =	sst s29;
	s30 =	spop (v2sf)  }
0x9f: {  	[smem:s20+$0x20A] =	sst s30;
	s31 =	spop (v2sf)  }
0xa0: {  	[smem:s20+$0xB] =	sst s31;
	s21 =	spop (v2sf)  }
0xa1: {  	[smem:s20+$0x20B] =	sst s21;
	s22 =	spop (v2sf)  }
0xa2: {  	[smem:s20+$0xC] =	sst s22;
	s23 =	spop (v2sf)  }
0xa3: {  	[smem:s20+$0x20C] =	sst s23;
	s24 =	spop (v2sf)  }
0xa4: {  	[smem:s20+$0xD] =	sst s24;
	s25 =	spop (v2sf)  }
0xa5: {  	[smem:s20+$0x20D] =	sst s25;
	s26 =	spop (v2sf)  }
0xa6: {  	[smem:s20+$0xE] =	sst s26;
	s28 =	spop (v2sf)  }
0xa7: {  	[smem:s20+$0x20E] =	sst s28;
	s29 =	spop (v2sf)  }
0xa8: {  	[smem:s20+$0xF] =	sst s29;
	s30 =	spop (v2sf)  }
0xa9: {  	[smem:s20+$0x20F] =	sst s30  }
0xaa: {  	s19 =	sld [smem:$0x0];
	_ =	sdelay $0x1  }
0xab: {  	s31 =	sld [smem:$0x200]  }
0xac: {  	s21 =	simm.s32 $0x400;
	s19 =	sshll.u32 s19, $0x4  }
0xad: {  	s22 =	simm.s32 $0x8;
	s23 =	simm.s32 $0x1;
	s19 =	sand.u32 $0xFFFFF80, s19  }
0xae: {  	s20 =	simm.s32 $0x0;
	s25 =	sshll.u32 s31, $0x4;
	s19 =	sadd.s32 s4, s19  }
0xaf: {  	[tilespmem:s21], [sflag:$0x1] =	stream.linear.gather [hbm4b:s19+s20], $0x400, $0x38;
	[tilespmem:$0x11400] =	vst v63  }
0xb0: {  	s25 =	sand.u32 $0xFFFFF80, s25;
	s19 =	simm.s32 $0x8400;
	s24 =	sld [smem:$0x1]  }
.LBB2_4:
0xb1: {  	p0 =	sne.s32 s22, $0x3C;
	s26 =	sld [smem:s23+$0x200];
	s23 =	sadd.s32 s6, s25  }
0xb2: {  	[tilespmem:s19], [sflag:$0x1] =	stream.linear.gather [hbm4b:s23+s20], $0x400, $0x38;
	[tilespmem:$0x11400] =	vst v63  }
.Ltmp1:
0xb3: {  	s23 =	sshll.u32 s24, $0x4;
	(pc) =	sbr.rel @p0 .LBB2_4-.Ltmp1, $4  }
0xb4: {  	s21 =	sadd.s32 $0x400, s21;
	s19 =	sadd.s32 $0x400, s19;
	s24 =	sand.u32 $0xFFFFF80, s23  }
0xb5: {  	s23 =	sshra.s32 s22, $0x2;
	s25 =	sshll.u32 s26, $0x4;
	s24 =	sadd.s32 s4, s24  }
0xb6: {  	[tilespmem:s21], [sflag:$0x1] =	stream.linear.gather [hbm4b:s24+s20], $0x400, $0x38;
	[tilespmem:$0x11400] =	vst v63  }
0xb7: {  	s22 =	sadd.s32 $0x4, s22;
	s25 =	sand.u32 $0xFFFFF80, s25;
	s24 =	sld [smem:s23+$0x0]  }
0xb8: {  	s22 =	sld [smem:s23+$0x200];
	s28 =	sadd.s32 s6, s25  }
0xb9: {  	[tilespmem:s19], [sflag:$0x1] =	stream.linear.gather [hbm4b:s28+s20], $0x400, $0x38;
	[tilespmem:$0x11400] =	vst v63  }
0xba: {  	s29 =	sshll.u32 s24, $0x4  }
0xbb: {  	s23 =	sand.u32 $0xFFFFF80, s29;
	s22 =	sshll.u32 s22, $0x4  }
0xbc: {  	s21 =	sadd.s32 $0x400, s21;
	s23 =	sadd.s32 s4, s23;
	s30 =	sand.u32 $0xFFFFF80, s22  }
0xbd: {  	[tilespmem:s21], [sflag:$0x1] =	stream.linear.gather [hbm4b:s23+s20], $0x400, $0x38;
	[tilespmem:$0x11400] =	vst v63  }
0xbe: {  	s31 =	sadd.s32 $0x400, s19;
	s21 =	sadd.s32 s6, s30  }
0xbf: {  	[tilespmem:s31], [sflag:$0x1] =	stream.linear.gather [hbm4b:s21+s20], $0x400, $0x38;
	[tilespmem:$0x11400] =	vst v63  }
.LBB2_6:
0xc0: {  	p0 =	seq.s32 s20, $0x0  }
0xc1: {  	s19 =	simm.s32 @!p0 $0x3  }
0xc2: {  	s22 =	sshll.u32 s20, $0x5;
	_ =	swait.ge @!p0 [sflag:s19], $0x800  }
0xc3: {  	s21 =	sand.u32 $0x3FFFFFE0, s22;
	[sflag:s19] =	ssyncset.done @!p0 $0x0  }
0xc4: {  	s26 =	simm.s32 $0x0;
	s23 =	sor.u32 $0x10, s21;
	[sflag:s19] =	ssyncadd.s32 @!p0 $0xFFFFF800  }
0xc5: {  	s25 =	sld [smem:s23+s26]  }
0xc6: {  	s24 =	sadd.s32 $0x210, s21  }
0xc7: {  	s26 =	sld [smem:s24+s26]  }
0xc8: {  	s28 =	simm.s32 $0x1;
	s31 =	sshll.u32 s25, $0x4  }
0xc9: {  	s19 =	sor.u32 $0x10, s22;
	s29 =	sld [smem:s23+s28];
	s21 =	sand.u32 $0xFFFFF80, s31  }
0xca: {  	s25 =	simm.s32 $0x4400;
	s30 =	sshll.u32 s26, $0x4;
	s21 =	sadd.s32 s4, s21  }
0xcb: {  	[tilespmem:s25], [sflag:$0x2] =	stream.linear.gather [hbm4b:s21+s3], $0x400, $0x38;
	[tilespmem:$0x11400] =	vst v63  }
0xcc: {  	s26 =	simm.s32 $0x8;
	s30 =	sand.u32 $0xFFFFF80, s30;
	s21 =	simm.s32 $0xC400  }
.LBB2_7:
0xcd: {  	p1 =	sne.s32 s26, $0x3C;
	s31 =	sld [smem:s24+s28];
	s28 =	sadd.s32 s6, s30  }
0xce: {  	[tilespmem:s21], [sflag:$0x2] =	stream.linear.gather [hbm4b:s28+s3], $0x400, $0x38;
	[tilespmem:$0x11400] =	vst v63  }
.Ltmp2:
0xcf: {  	s28 =	sshll.u32 s29, $0x4;
	(pc) =	sbr.rel @p1 .LBB2_7-.Ltmp2, $4  }
0xd0: {  	s25 =	sadd.s32 $0x400, s25;
	s21 =	sadd.s32 $0x400, s21;
	s29 =	sand.u32 $0xFFFFF80, s28  }
0xd1: {  	s28 =	sshra.s32 s26, $0x2;
	s30 =	sshll.u32 s31, $0x4;
	s29 =	sadd.s32 s4, s29  }
0xd2: {  	[tilespmem:s25], [sflag:$0x2] =	stream.linear.gather [hbm4b:s29+s3], $0x400, $0x38;
	[tilespmem:$0x11400] =	vst v63  }
0xd3: {  	s26 =	sadd.s32 $0x4, s26;
	s30 =	sand.u32 $0xFFFFF80, s30;
	s29 =	sld [smem:s23+s28]  }
0xd4: {  	s23 =	sld [smem:s24+s28];
	s26 =	sadd.s32 s6, s30  }
0xd5: {  	[tilespmem:s21], [sflag:$0x2] =	stream.linear.gather [hbm4b:s26+s3], $0x400, $0x38;
	[tilespmem:$0x11400] =	vst v63  }
0xd6: {  	s31 =	sshll.u32 s29, $0x4  }
0xd7: {  	s24 =	sand.u32 $0xFFFFF80, s31;
	s23 =	sshll.u32 s23, $0x4  }
0xd8: {  	s25 =	sadd.s32 $0x400, s25;
	s24 =	sadd.s32 s4, s24;
	s23 =	sand.u32 $0xFFFFF80, s23  }
0xd9: {  	[tilespmem:s25], [sflag:$0x2] =	stream.linear.gather [hbm4b:s24+s3], $0x400, $0x38;
	[tilespmem:$0x11400] =	vst v63  }
0xda: {  	s24 =	sadd.s32 $0x400, s21;
	s23 =	sadd.s32 s6, s23  }
0xdb: {  	[tilespmem:s24], [sflag:$0x2] =	stream.linear.gather [hbm4b:s23+s3], $0x400, $0x38;
	[tilespmem:$0x11400] =	vst v63  }
0xdc: {  	_ =	swait.ge [sflag:s12], $0x4000  }
0xdd: {  	[sflag:s12] =	ssyncset.done $0x0  }
0xde: {  	[sflag:s12] =	ssyncadd.s32 $0xFFFFC000  }
0xdf: {  	_ =	swait.ge [sflag:s12], $0x4000  }
0xe0: {  	s25 =	sshll.u32 s20, $0x7;
	[sflag:s12] =	ssyncset.done $0x0  }
0xe1: {  	s21 =	sshra.s32 s25, $0x2;
	[sflag:s12] =	ssyncadd.s32 $0xFFFFC000  }
0xe2: {  	s26 =	sld [smem:s21+$0x0];
	_ =	sdelay $0x2  }
0xe3: {  	s23 =	sand.u32 $0x7, s26  }
0xe4: {  	s23 =	sadd.s32 $0x0, s23  }
0xe5: {  	s24 =	sadd.s32 $0x200, s21;
	s23 =	sshll.u32 s23, $0x7  }
0xe6: {  	s31 =	sld [smem:s24+$0x0];
	s26 =	sand.u32 $0x3FFFFF80, s23  }
0xe7: {  	v0 =	vld [tilespmem:s26+$0x400];
	_ =	sdelay $0x1  }
0xe8: {  	s31 =	sand.u32 $0x7, s31  }
0xe9: {  	s25 =	sadd.s32 $0x0, s31  }
0xea: {  	s25 =	sshll.u32 s25, $0x7;
	s23 =	simm.s32 $0x10440  }
0xeb: {  	s29 =	sand.u32 $0x3FFFFF80, s25;
	[tilespmem:s23+$0xFFFFFFC0] =	vst v0  }
0xec: {  	v0 =	vld [tilespmem:s29+$0x8400];
	_ =	sdelay $0x4  }
0xed: {  	[tilespmem:s23+$0x0] =	vst v0  }
0xee: {  	v0 =	vld [tilespmem:s26+$0x410];
	_ =	sdelay $0x4  }
0xef: {  	[tilespmem:s23+$0xFFFFFFD0] =	vst v0  }
0xf0: {  	v0 =	vld [tilespmem:s29+$0x8410];
	_ =	sdelay $0x4  }
0xf1: {  	[tilespmem:s23+$0x10] =	vst v0  }
0xf2: {  	v0 =	vld [tilespmem:s26+$0x420];
	_ =	sdelay $0x4  }
0xf3: {  	[tilespmem:s23+$0xFFFFFFE0] =	vst v0  }
0xf4: {  	v0 =	vld [tilespmem:s29+$0x8420];
	_ =	sdelay $0x4  }
0xf5: {  	[tilespmem:s23+$0x20] =	vst v0  }
0xf6: {  	v0 =	vld [tilespmem:s26+$0x430];
	_ =	sdelay $0x3  }
0xf7: {  	s26 =	sadd.s32 $0x1, s21  }
0xf8: {  	s28 =	simm.s32 $0x10;
	s25 =	simm.s32 $0x8;
	s30 =	sld [smem:s26+$0x0];
	[tilespmem:s23+$0xFFFFFFF0] =	vst v0  }
.LBB2_9:
0xf9: {  	p1 =	sne.s32 s28, $0x78;
	v0 =	vld [tilespmem:s29+$0x8430];
	_ =	sdelay $0x1  }
0xfa: {  	s29 =	sand.u32 $0x7, s30  }
0xfb: {  	s29 =	sadd.s32 s29, s25  }
0xfc: {  	s24 =	sadd.s32 $0x1, s24;
	s29 =	sshll.u32 s29, $0x7  }
0xfd: {  	s30 =	sld [smem:s24+$0x0];
	s31 =	sand.u32 $0x3FFFFF80, s29;
	[tilespmem:s23+$0x30] =	vst v0  }
0xfe: {  	v0 =	vld [tilespmem:s31+$0x400];
	_ =	sdelay $0x1  }
0xff: {  	s29 =	sand.u32 $0x7, s30  }
0x100: {  	s29 =	sadd.s32 s29, s25;
	s25 =	smov.u32 s28  }
0x101: {  	s23 =	sadd.s32 $0x80, s23;
	s29 =	sshll.u32 s29, $0x7  }
0x102: {  	[tilespmem:s23+$0xFFFFFFC0] =	vst v0;
	s29 =	sand.u32 $0x3FFFFF80, s29  }
0x103: {  	v0 =	vld [tilespmem:s29+$0x8400];
	_ =	sdelay $0x4  }
0x104: {  	[tilespmem:s23+$0x0] =	vst v0  }
0x105: {  	v0 =	vld [tilespmem:s31+$0x410];
	_ =	sdelay $0x4  }
0x106: {  	[tilespmem:s23+$0xFFFFFFD0] =	vst v0  }
0x107: {  	v0 =	vld [tilespmem:s29+$0x8410];
	_ =	sdelay $0x4  }
0x108: {  	[tilespmem:s23+$0x10] =	vst v0  }
0x109: {  	v0 =	vld [tilespmem:s31+$0x420];
	_ =	sdelay $0x4  }
0x10a: {  	[tilespmem:s23+$0xFFFFFFE0] =	vst v0  }
0x10b: {  	v0 =	vld [tilespmem:s29+$0x8420];
	_ =	sdelay $0x4  }
0x10c: {  	[tilespmem:s23+$0x20] =	vst v0  }
0x10d: {  	v0 =	vld [tilespmem:s31+$0x430]  }
.Ltmp3:
0x10e: {  	(pc) =	sbr.rel @p1 .LBB2_9-.Ltmp3, $3  }
0x10f: {  	_ =	sdelay $0x1  }
0x110: {  	s26 =	sadd.s32 $0x1, s26  }
0x111: {  	s28 =	sadd.s32 $0x8, s28;
	s30 =	sld [smem:s26+$0x0];
	[tilespmem:s23+$0xFFFFFFF0] =	vst v0  }
0x112: {  	v0 =	vld [tilespmem:s29+$0x8430];
	_ =	sdelay $0x1  }
0x113: {  	s26 =	sand.u32 $0x7, s30  }
0x114: {  	s26 =	sadd.s32 s26, s25  }
0x115: {  	s24 =	sadd.s32 $0x1, s24;
	s26 =	sshll.u32 s26, $0x7  }
0x116: {  	s24 =	sld [smem:s24+$0x0];
	s26 =	sand.u32 $0x3FFFFF80, s26;
	[tilespmem:s23+$0x30] =	vst v0  }
0x117: {  	v0 =	vld [tilespmem:s26+$0x400];
	_ =	sdelay $0x1  }
0x118: {  	s24 =	sand.u32 $0x7, s24  }
0x119: {  	s24 =	sadd.s32 s24, s25  }
0x11a: {  	s31 =	sadd.s32 $0x80, s23;
	s24 =	sshll.u32 s24, $0x7  }
0x11b: {  	s24 =	sand.u32 $0x3FFFFF80, s24;
	[tilespmem:s31+$0xFFFFFFC0] =	vst v0  }
0x11c: {  	v0 =	vld [tilespmem:s24+$0x8400];
	_ =	sdelay $0x4  }
0x11d: {  	[tilespmem:s31+$0x0] =	vst v0  }
0x11e: {  	v0 =	vld [tilespmem:s26+$0x410];
	_ =	sdelay $0x4  }
0x11f: {  	[tilespmem:s31+$0xFFFFFFD0] =	vst v0  }
0x120: {  	v0 =	vld [tilespmem:s24+$0x8410];
	_ =	sdelay $0x4  }
0x121: {  	[tilespmem:s31+$0x10] =	vst v0  }
0x122: {  	v0 =	vld [tilespmem:s26+$0x420];
	_ =	sdelay $0x4  }
0x123: {  	[tilespmem:s31+$0xFFFFFFE0] =	vst v0  }
0x124: {  	v0 =	vld [tilespmem:s24+$0x8420];
	_ =	sdelay $0x4  }
0x125: {  	[tilespmem:s31+$0x20] =	vst v0  }
0x126: {  	v0 =	vld [tilespmem:s26+$0x430];
	_ =	sdelay $0x4  }
0x127: {  	[tilespmem:s31+$0xFFFFFFF0] =	vst v0  }
0x128: {  	v0 =	vld [tilespmem:s24+$0x8430];
	_ =	sdelay $0x2  }
0x129: {  	s22 =	sor.u32 s5, s22  }
0x12a: {  	p1 =	seq.s32 @!p0 s20, $0xF;
	s22 =	sshll.u32 s22, $0x4  }
0x12b: {  	p1 =	por p0, !p1;
	s22 =	sadd.s32 s1, s22;
	[tilespmem:s31+$0x30] =	vst v0  }
0x12c: {  	[hbm4b:s22+s3] =	stream.linear.scatter [tilespmem:s13], [sflag:$0x3], $0x800, $0x38;
	[tilespmem:$0x11400] =	vst v63  }
.Ltmp4:
0x12d: {  	_ = 	snop;
	(pc) =	sbr.rel @!p1 .LBB2_14-.Ltmp4, $4  }
0x12e: {  	s22 =	simm.s32 @!p0 $0x4  }
0x12f: {  	_ =	swait.ge @!p0 [sflag:s22], $0x800  }
0x130: {  	[sflag:s22] =	ssyncset.done @!p0 $0x0  }
0x131: {  	[sflag:s22] =	ssyncadd.s32 @!p0 $0xFFFFF800;
	s22 =	simm.s32 @!p0 $0x10  }
0x132: {  	s23 =	sadd.s32 $0x20, s21;
	s25 =	simm.s32 $0x0  }
0x133: {  	s24 =	sadd.s32 $0x220, s21;
	s22 =	sld [smem:s23+s25]  }
0x134: {  	s29 =	sld [smem:s24+s25];
	_ =	sdelay $0x1  }
0x135: {  	s28 =	simm.s32 $0x1;
	s25 =	simm.s32 $0x400;
	s26 =	sshll.u32 s22, $0x4  }
0x136: {  	s22 =	sadd.s32 @!p0 $0x1, s20;
	s30 =	sshll.u32 s29, $0x4;
	s31 =	sand.u32 $0xFFFFF80, s26  }
0x137: {  	s29 =	sld [smem:s23+s28];
	s22 =	simm.s32 @p0 $0x1;
	s20 =	sadd.s32 s4, s31  }
0x138: {  	[tilespmem:s25], [sflag:$0x1] =	stream.linear.gather [hbm4b:s20+s3], $0x400, $0x38;
	[tilespmem:$0x11400] =	vst v63  }
0x139: {  	s26 =	simm.s32 $0x8;
	s30 =	sand.u32 $0xFFFFF80, s30;
	s20 =	simm.s32 $0x8400  }
.LBB2_12:
0x13a: {  	p0 =	sne.s32 s26, $0x3C;
	s31 =	sld [smem:s24+s28];
	s28 =	sadd.s32 s6, s30  }
0x13b: {  	[tilespmem:s20], [sflag:$0x1] =	stream.linear.gather [hbm4b:s28+s3], $0x400, $0x38;
	[tilespmem:$0x11400] =	vst v63  }
.Ltmp5:
0x13c: {  	s28 =	sshll.u32 s29, $0x4;
	(pc) =	sbr.rel @p0 .LBB2_12-.Ltmp5, $4  }
0x13d: {  	s25 =	sadd.s32 $0x400, s25;
	s20 =	sadd.s32 $0x400, s20;
	s29 =	sand.u32 $0xFFFFF80, s28  }
0x13e: {  	s28 =	sshra.s32 s26, $0x2;
	s30 =	sshll.u32 s31, $0x4;
	s29 =	sadd.s32 s4, s29  }
0x13f: {  	[tilespmem:s25], [sflag:$0x1] =	stream.linear.gather [hbm4b:s29+s3], $0x400, $0x38;
	[tilespmem:$0x11400] =	vst v63  }
0x140: {  	s26 =	sadd.s32 $0x4, s26;
	s30 =	sand.u32 $0xFFFFF80, s30;
	s29 =	sld [smem:s23+s28]  }
0x141: {  	s23 =	sld [smem:s24+s28];
	s28 =	sadd.s32 s6, s30  }
0x142: {  	[tilespmem:s20], [sflag:$0x1] =	stream.linear.gather [hbm4b:s28+s3], $0x400, $0x38;
	[tilespmem:$0x11400] =	vst v63  }
0x143: {  	s30 =	sshll.u32 s29, $0x4  }
0x144: {  	s24 =	sand.u32 $0xFFFFF80, s30;
	s23 =	sshll.u32 s23, $0x4  }
0x145: {  	s25 =	sadd.s32 $0x400, s25;
	s24 =	sadd.s32 s4, s24;
	s23 =	sand.u32 $0xFFFFF80, s23  }
0x146: {  	[tilespmem:s25], [sflag:$0x1] =	stream.linear.gather [hbm4b:s24+s3], $0x400, $0x38;
	[tilespmem:$0x11400] =	vst v63  }
0x147: {  	s31 =	sadd.s32 $0x400, s20;
	s23 =	sadd.s32 s6, s23  }
0x148: {  	[tilespmem:s31], [sflag:$0x1] =	stream.linear.gather [hbm4b:s23+s3], $0x400, $0x38;
	[tilespmem:$0x11400] =	vst v63  }
.LBB2_14:
0x149: {  	_ =	swait.ge [sflag:s14], $0x4000  }
0x14a: {  	[sflag:s14] =	ssyncset.done $0x0  }
0x14b: {  	[sflag:s14] =	ssyncadd.s32 $0xFFFFC000  }
0x14c: {  	_ =	swait.ge [sflag:s14], $0x4000  }
0x14d: {  	[sflag:s14] =	ssyncset.done $0x0  }
0x14e: {  	s23 =	sadd.s32 $0x10, s21;
	[sflag:s14] =	ssyncadd.s32 $0xFFFFC000  }
0x14f: {  	s20 =	sld [smem:s23+$0x0];
	_ =	sdelay $0x2  }
0x150: {  	s20 =	sand.u32 $0x7, s20  }
0x151: {  	s20 =	sadd.s32 $0x0, s20  }
0x152: {  	s21 =	sadd.s32 $0x210, s21;
	s20 =	sshll.u32 s20, $0x7  }
0x153: {  	s24 =	sld [smem:s21+$0x0];
	s25 =	sand.u32 $0x3FFFFF80, s20  }
0x154: {  	v0 =	vld [tilespmem:s25+$0x4400];
	_ =	sdelay $0x1  }
0x155: {  	s31 =	sand.u32 $0x7, s24  }
0x156: {  	s24 =	sadd.s32 $0x0, s31  }
0x157: {  	s24 =	sshll.u32 s24, $0x7;
	s20 =	simm.s32 $0x10C40  }
0x158: {  	s26 =	sand.u32 $0x3FFFFF80, s24;
	[tilespmem:s20+$0xFFFFFFC0] =	vst v0  }
0x159: {  	v0 =	vld [tilespmem:s26+$0xC400];
	_ =	sdelay $0x4  }
0x15a: {  	[tilespmem:s20+$0x0] =	vst v0  }
0x15b: {  	v0 =	vld [tilespmem:s25+$0x4410];
	_ =	sdelay $0x4  }
0x15c: {  	[tilespmem:s20+$0xFFFFFFD0] =	vst v0  }
0x15d: {  	v0 =	vld [tilespmem:s26+$0xC410];
	_ =	sdelay $0x4  }
0x15e: {  	[tilespmem:s20+$0x10] =	vst v0  }
0x15f: {  	v0 =	vld [tilespmem:s25+$0x4420];
	_ =	sdelay $0x4  }
0x160: {  	[tilespmem:s20+$0xFFFFFFE0] =	vst v0  }
0x161: {  	v0 =	vld [tilespmem:s26+$0xC420];
	_ =	sdelay $0x4  }
0x162: {  	[tilespmem:s20+$0x20] =	vst v0  }
0x163: {  	v0 =	vld [tilespmem:s25+$0x4430];
	_ =	sdelay $0x3  }
0x164: {  	s24 =	sadd.s32 $0x1, s23  }
0x165: {  	s23 =	simm.s32 $0x8;
	s28 =	sld [smem:s24+$0x0];
	s25 =	simm.s32 $0x10;
	[tilespmem:s20+$0xFFFFFFF0] =	vst v0  }
.LBB2_15:
0x166: {  	p0 =	sne.s32 s25, $0x78;
	v0 =	vld [tilespmem:s26+$0xC430];
	_ =	sdelay $0x1  }
0x167: {  	s26 =	sand.u32 $0x7, s28  }
0x168: {  	s26 =	sadd.s32 s26, s23  }
0x169: {  	s21 =	sadd.s32 $0x1, s21;
	s26 =	sshll.u32 s26, $0x7  }
0x16a: {  	s28 =	sld [smem:s21+$0x0];
	s29 =	sand.u32 $0x3FFFFF80, s26;
	[tilespmem:s20+$0x30] =	vst v0  }
0x16b: {  	v0 =	vld [tilespmem:s29+$0x4400];
	_ =	sdelay $0x1  }
0x16c: {  	s26 =	sand.u32 $0x7, s28  }
0x16d: {  	s26 =	sadd.s32 s26, s23;
	s23 =	smov.u32 s25  }
0x16e: {  	s20 =	sadd.s32 $0x80, s20;
	s26 =	sshll.u32 s26, $0x7  }
0x16f: {  	[tilespmem:s20+$0xFFFFFFC0] =	vst v0;
	s26 =	sand.u32 $0x3FFFFF80, s26  }
0x170: {  	v0 =	vld [tilespmem:s26+$0xC400];
	_ =	sdelay $0x4  }
0x171: {  	[tilespmem:s20+$0x0] =	vst v0  }
0x172: {  	v0 =	vld [tilespmem:s29+$0x4410];
	_ =	sdelay $0x4  }
0x173: {  	[tilespmem:s20+$0xFFFFFFD0] =	vst v0  }
0x174: {  	v0 =	vld [tilespmem:s26+$0xC410];
	_ =	sdelay $0x4  }
0x175: {  	[tilespmem:s20+$0x10] =	vst v0  }
0x176: {  	v0 =	vld [tilespmem:s29+$0x4420];
	_ =	sdelay $0x4  }
0x177: {  	[tilespmem:s20+$0xFFFFFFE0] =	vst v0  }
0x178: {  	v0 =	vld [tilespmem:s26+$0xC420];
	_ =	sdelay $0x4  }
0x179: {  	[tilespmem:s20+$0x20] =	vst v0  }
0x17a: {  	v0 =	vld [tilespmem:s29+$0x4430]  }
.Ltmp6:
0x17b: {  	(pc) =	sbr.rel @p0 .LBB2_15-.Ltmp6, $3  }
0x17c: {  	_ =	sdelay $0x1  }
0x17d: {  	s24 =	sadd.s32 $0x1, s24  }
0x17e: {  	s25 =	sadd.s32 $0x8, s25;
	s28 =	sld [smem:s24+$0x0];
	[tilespmem:s20+$0xFFFFFFF0] =	vst v0  }
0x17f: {  	v0 =	vld [tilespmem:s26+$0xC430];
	_ =	sdelay $0x1  }
0x180: {  	s24 =	sand.u32 $0x7, s28  }
0x181: {  	s24 =	sadd.s32 s24, s23  }
0x182: {  	s21 =	sadd.s32 $0x1, s21;
	s24 =	sshll.u32 s24, $0x7  }
0x183: {  	s21 =	sld [smem:s21+$0x0];
	s24 =	sand.u32 $0x3FFFFF80, s24;
	[tilespmem:s20+$0x30] =	vst v0  }
0x184: {  	v0 =	vld [tilespmem:s24+$0x4400];
	_ =	sdelay $0x1  }
0x185: {  	s21 =	sand.u32 $0x7, s21  }
0x186: {  	s21 =	sadd.s32 s21, s23  }
0x187: {  	s31 =	sadd.s32 $0x80, s20;
	s21 =	sshll.u32 s21, $0x7  }
0x188: {  	s21 =	sand.u32 $0x3FFFFF80, s21;
	[tilespmem:s31+$0xFFFFFFC0] =	vst v0  }
0x189: {  	v0 =	vld [tilespmem:s21+$0xC400];
	_ =	sdelay $0x4  }
0x18a: {  	[tilespmem:s31+$0x0] =	vst v0  }
0x18b: {  	v0 =	vld [tilespmem:s24+$0x4410];
	_ =	sdelay $0x4  }
0x18c: {  	[tilespmem:s31+$0xFFFFFFD0] =	vst v0  }
0x18d: {  	v0 =	vld [tilespmem:s21+$0xC410];
	_ =	sdelay $0x4  }
0x18e: {  	[tilespmem:s31+$0x10] =	vst v0  }
0x18f: {  	v0 =	vld [tilespmem:s24+$0x4420];
	_ =	sdelay $0x4  }
0x190: {  	[tilespmem:s31+$0xFFFFFFE0] =	vst v0  }
0x191: {  	v0 =	vld [tilespmem:s21+$0xC420];
	_ =	sdelay $0x4  }
0x192: {  	[tilespmem:s31+$0x20] =	vst v0  }
0x193: {  	v0 =	vld [tilespmem:s24+$0x4430];
	_ =	sdelay $0x4  }
0x194: {  	[tilespmem:s31+$0xFFFFFFF0] =	vst v0  }
0x195: {  	v0 =	vld [tilespmem:s21+$0xC430]  }
0x196: {  	p0 =	slt.u32 s22, $0x10  }
.Ltmp7:
0x197: {  	_ = 	snop;
	(pc) =	sbr.rel @p0 .LBB2_6-.Ltmp7, $4  }
0x198: {  	s19 =	sor.u32 s5, s19  }
0x199: {  	s19 =	sshll.u32 s19, $0x4  }
0x19a: {  	s19 =	sadd.s32 s1, s19;
	s20 =	smov.u32 s22;
	[tilespmem:s31+$0x30] =	vst v0  }
0x19b: {  	[hbm4b:s19+s3] =	stream.linear.scatter [tilespmem:s15], [sflag:$0x4], $0x800, $0x38;
	[tilespmem:$0x11400] =	vst v63  }
0x19c: {  	s18 =	sadd.s32 $0x1, s18  }
0x19d: {  	_ =	swait.ge [sflag:s16], $0x800;
	p0 =	sne.s32 s18, s9  }
.Ltmp8:
0x19e: {  	[sflag:s16] =	ssyncset.done $0x0;
	(pc) =	sbr.rel @p0 .LBB2_1-.Ltmp8, $4  }
0x19f: {  	[sflag:s16] =	ssyncadd.s32 $0xFFFFF800  }
0x1a0: {  	_ =	swait.ge [sflag:s17], $0x800  }
0x1a1: {  	[sflag:s17] =	ssyncset.done $0x0  }
0x1a2: {  	[sflag:s17] =	ssyncadd.s32 $0xFFFFF800  }
0x1a3: {  	_ =	sfence.sel $0x180000  }
0x1a4: {  	[bflag:$0x0] =	sbarrier.arrive $0xFFFF  }
0x1a5: {  	p0 =	sne.s32 s2, $0x0;
	_ =	strace $0x90000047  }
0x1a6: {  	s0 =	sadd.s32 @!p0 $0x100000, s0;
	[bflag:$0x2] =	sbarrier.arrive $0xFFFF  }
0x1a7: {  	[sflag:s0] =	ssyncadd.tile.s32 @!p0 $0x1;
	_ =	shalt  }
.Lfunc_end2:
_tile_overlayer_lowered:
.L_overlay_start_2:
0x1a8: {  	(tag) =	ssettag $0x2  }
0x1a9: {  	s0 =	rddreg [dreg:$0x0];
	s2 =	stileid.u32  }
0x1aa: {  	s1 =	rddreg [dreg:$0x1];
	p0 =	sne.s32 s2, $0x0  }
0x1ab: {  	s3 =	rddreg [dreg:$0x2];
	[bflag:$0x3] =	sbarrier.arrive $0xFFFF;
	s2 =	simm.s32 @!p0 $0x1C05  }
0x1ac: {  	[timem:s3], [sflag:s2] =	dma.local @!p0 [hbm:s0], s1  }
0x1ad: {  	s0 =	simm.s32 @!p0 $0x5  }
0x1ae: {  	_ =	swait.ge @!p0 [sflag:s0], s1  }
0x1af: {  	s1 =	ssub.s32 @!p0 $0x0, s1;
	[sflag:s0] =	ssyncset.done @!p0 $0x0  }
0x1b0: {  	[sflag:s0] =	ssyncadd.s32 @!p0 s1  }
0x1b1: {  	[bflag:$0x3] =	sbarrier.arrive $0xFFFF  }
0x1b2: {  	_ =	shalt  }

</sc_bundles>
